<compile_context>
chip_gen: v7x
topology: tpu7x:2x2x1
jax: 0.10.2.dev20260603
libtpu: 0.0.44.dev20260713+nightly
codegen_flags: <defaults>
</compile_context>

<pallas_src>
import functools

import jax
import jax.numpy as jnp
from jax import lax
from jax.experimental import pallas as pl
from jax.experimental.pallas import tpu as pltpu
from jax.experimental.pallas import tpu_sc as plsc

_NC = 2
_NS = 16
_NW = _NC * _NS
_L = 16

_EMBED = 64
_BLK = 64
_C = 24576


def _tc_scores_body(xu_ref, xm_ref, wu_ref, wm_ref, ou_ref, om_ref):
    ou_ref[...] = jnp.sum(xu_ref[...] * wu_ref[...], axis=0).reshape(
        _C // 128, 128)
    om_ref[...] = jnp.sum(xm_ref[...] * wm_ref[...], axis=0).reshape(
        _C // 128, 128)


def _tc_scores(utab_t, mtab_t, wu, wm):
    n = utab_t.shape[1]
    grid = (n + _C - 1) // _C
    out = jax.ShapeDtypeStruct((grid * (_C // 128), 128), jnp.float32)
    return pl.pallas_call(
        _tc_scores_body,
        grid=(grid,),
        in_specs=[
            pl.BlockSpec((_EMBED, _C), lambda i: (0, i)),
            pl.BlockSpec((_EMBED, _C), lambda i: (0, i)),
            pl.BlockSpec((_EMBED, 1), lambda i: (0, 0)),
            pl.BlockSpec((_EMBED, 1), lambda i: (0, 0)),
        ],
        out_specs=[
            pl.BlockSpec((_C // 128, 128), lambda i: (i, 0)),
            pl.BlockSpec((_C // 128, 128), lambda i: (i, 0)),
        ],
        out_shape=[out, out],
    )(utab_t, mtab_t, wu, wm)


def _sc_body(users_r, movies_r, su, sm, brep, out,
             qu_v, tu_v, qm_v, tm_v, rows_u, rows_m, out_v, b_v,
             sem_u0, sem_u1, sem_m0, sem_m1,
             *, b_per_w, n_blocks):
    wid = lax.axis_index("s") * _NC + lax.axis_index("c")
    chunks_per_blk = _BLK // _L

    pltpu.sync_copy(users_r.at[wid], qu_v)
    pltpu.sync_copy(movies_r.at[wid], qm_v)
    pltpu.sync_copy(brep, b_v)

    def split(i, carry):
        sl = pl.ds(i * _L, _L)
        u = qu_v[sl]
        m = qm_v[sl]
        tu_v[sl] = u & 127
        qu_v[sl] = u >> 7
        tm_v[sl] = m & 127
        qm_v[sl] = m >> 7
        return carry

    lax.fori_loop(0, b_per_w // _L, split, 0)

    sems_u = (sem_u0, sem_u1)
    sems_m = (sem_m0, sem_m1)

    def fire(j):
        s = j % 2
        blk = pl.ds(j * _BLK, _BLK)
        pltpu.async_copy(su.at[qu_v.at[blk]], rows_u.at[s], sems_u[s])
        pltpu.async_copy(sm.at[qm_v.at[blk]], rows_m.at[s], sems_m[s])

    def drain(j):
        s = j % 2
        pltpu.make_async_copy(su.at[pl.ds(0, _BLK)], rows_u.at[s],
                              sems_u[s]).wait()
        pltpu.make_async_copy(sm.at[pl.ds(0, _BLK)], rows_m.at[s],
                              sems_m[s]).wait()

    row16 = lax.iota(jnp.int32, _L)
    bias = b_v[...]

    fire(0)
    fire(1)
    for j in range(n_blocks):
        s = j % 2
        drain(j)
        ru = rows_u.at[s]
        rm = rows_m.at[s]

        def chunk(k, carry, *, j=j, ru=ru, rm=rm):
            g = j * chunks_per_blk + k
            rid = k * _L + row16
            t_u = tu_v[pl.ds(g * _L, _L)]
            t_m = tm_v[pl.ds(g * _L, _L)]
            vu = plsc.load_gather(ru, [rid, t_u])
            vm = plsc.load_gather(rm, [rid, t_m])
            out_v[pl.ds(g * _L, _L)] = vu + vm + bias
            return carry

        lax.fori_loop(0, chunks_per_blk, chunk, 0)
        if j + 2 < n_blocks:
            fire(j + 2)

    pltpu.sync_copy(out_v, out.at[wid])


def kernel(users, movies, user_table, movie_table, W, b):
    B = users.shape[0]
    assert B % (_NW * _BLK) == 0
    b_per_w = B // _NW
    n_blocks = b_per_w // _BLK

    users_r = users.astype(jnp.int32).reshape(_NW, b_per_w)
    movies_r = movies.astype(jnp.int32).reshape(_NW, b_per_w)

    utab_t = user_table.T
    mtab_t = movie_table.T
    wu = W.reshape(-1)[:_EMBED].astype(jnp.float32).reshape(_EMBED, 1)
    wm = W.reshape(-1)[_EMBED:].astype(jnp.float32).reshape(_EMBED, 1)

    scores_u, scores_m = _tc_scores(utab_t, mtab_t, wu, wm)

    brep = jnp.full((_L,), b.reshape(()), dtype=jnp.float32)

    mesh = plsc.VectorSubcoreMesh(core_axis_name="c", subcore_axis_name="s")
    body = functools.partial(_sc_body, b_per_w=b_per_w, n_blocks=n_blocks)
    run = pl.kernel(
        body,
        out_type=jax.ShapeDtypeStruct((_NW, b_per_w), jnp.float32),
        mesh=mesh,
        compiler_params=pltpu.CompilerParams(needs_layout_passes=False),
        scratch_types=[
            pltpu.VMEM((b_per_w,), jnp.int32),
            pltpu.VMEM((b_per_w,), jnp.int32),
            pltpu.VMEM((b_per_w,), jnp.int32),
            pltpu.VMEM((b_per_w,), jnp.int32),
            pltpu.VMEM((2, _BLK, 128), jnp.float32),
            pltpu.VMEM((2, _BLK, 128), jnp.float32),
            pltpu.VMEM((b_per_w,), jnp.float32),
            pltpu.VMEM((_L,), jnp.float32),
            pltpu.SemaphoreType.DMA,
            pltpu.SemaphoreType.DMA,
            pltpu.SemaphoreType.DMA,
            pltpu.SemaphoreType.DMA,
        ],
    )
    out = run(users_r, movies_r, scores_u, scores_m, brep)
    return out.reshape(B, 1)

# --- scband reference (transcript-rebuilt; emitter-appended) ---
"""Pipeline reference for scband-rec-sys-model-73229192397010 (READ-ONLY COPY).

The authoritative reference and input builder live on the scoring server;
editing this copy changes nothing except your own understanding.
"""

import jax, jax.numpy as jnp
import numpy as np

NUM_USERS = 1000000
NUM_MOVIES = 1000000
EMBED_DIM = 64
BATCH = 16384


def setup_inputs(seed: int = 0) -> dict:
    key = jax.random.key(seed)
    k1, k2, k3, k4, k5, k6 = jax.random.split(key, 6)
    users = jax.random.randint(k1, (BATCH,), 0, NUM_USERS, dtype=jnp.int64 if jax.config.jax_enable_x64 else jnp.int32)
    movies = jax.random.randint(k2, (BATCH,), 0, NUM_MOVIES, dtype=jnp.int64 if jax.config.jax_enable_x64 else jnp.int32)
    user_table = jax.random.normal(k3, (NUM_USERS, EMBED_DIM), dtype=jnp.float32)
    movie_table = jax.random.normal(k4, (NUM_MOVIES, EMBED_DIM), dtype=jnp.float32)
    # nn.Linear(128, 1): weight [1, 128], bias [1]
    W = jax.random.uniform(k5, (1, 2 * EMBED_DIM), dtype=jnp.float32, minval=-1.0, maxval=1.0) / jnp.sqrt(2.0 * EMBED_DIM)
    b = jax.random.uniform(k6, (1,), dtype=jnp.float32, minval=-1.0, maxval=1.0) / jnp.sqrt(2.0 * EMBED_DIM)
    return {"users": users, "movies": movies, "user_table": user_table, "movie_table": movie_table, "W": W, "b": b}


def reference(users, movies, user_table, movie_table, W, b):
    user_embeds = jnp.take(user_table, users, axis=0)    # [B, 64]
    movie_embeds = jnp.take(movie_table, movies, axis=0)  # [B, 64]
    output = jnp.concatenate([user_embeds, movie_embeds], axis=1)  # [B, 128]
    output = output @ W.T + b  # [B, 1]
    return output

if __name__ == "__main__":
    import jax
    _d = setup_inputs()
    print(jax.jit(kernel)(*tuple(_d.values())))

</pallas_src>

<mosaic_0001>
#map = affine_map<(d0, d1) -> (0, 0)>
#map1 = affine_map<(d0, d1) -> (0)>
module attributes {stable_mosaic.version = 14 : i64} {
  func.func @_sc_body(%arg0: i32, %arg1: i32, %arg2: memref<32x512xi32, #tpu.memory_space<hbm>>, %arg3: memref<32x512xi32, #tpu.memory_space<hbm>>, %arg4: memref<7872x128xf32, #tpu.memory_space<hbm>>, %arg5: memref<7872x128xf32, #tpu.memory_space<hbm>>, %arg6: memref<16xf32, #tpu.memory_space<hbm>>, %arg7: memref<32x512xf32, #tpu.memory_space<hbm>>, %arg8: memref<512xi32, #tpu.memory_space<vmem>>, %arg9: memref<512xi32, #tpu.memory_space<vmem>>, %arg10: memref<512xi32, #tpu.memory_space<vmem>>, %arg11: memref<512xi32, #tpu.memory_space<vmem>>, %arg12: memref<2x64x128xf32, #tpu.memory_space<vmem>>, %arg13: memref<2x64x128xf32, #tpu.memory_space<vmem>>, %arg14: memref<512xf32, #tpu.memory_space<vmem>>, %arg15: memref<16xf32, #tpu.memory_space<vmem>>, %arg16: memref<!tpu.dma_semaphore, #tpu.memory_space<semaphore_mem>>, %arg17: memref<!tpu.dma_semaphore, #tpu.memory_space<semaphore_mem>>, %arg18: memref<!tpu.dma_semaphore, #tpu.memory_space<semaphore_mem>>, %arg19: memref<!tpu.dma_semaphore, #tpu.memory_space<semaphore_mem>>) attributes {dimension_semantics = [#tpu.dimension_semantics<core_parallel>, #tpu.dimension_semantics<subcore_parallel>], iteration_bounds = array<i64: 2, 16>, scalar_prefetch = 0 : i64, scratch_operands = 12 : i64, tpu.core_type = #tpu.core_type<sc_vector_subcore>, window_params = [{transform_indices = #map}, {transform_indices = #map}, {transform_indices = #map}, {transform_indices = #map}, {transform_indices = #map1}, {transform_indices = #map}]} {
    %mul3A = arith.constant 2 : i32
    %mul3A_0 = arith.muli %arg1, %mul3A : i32
    %add3A = arith.addi %mul3A_0, %arg0 : i32
    "tpu.region"() ({
      %run_scoped3A = tpu.sem_alloc : memref<!tpu.dma_semaphore, #tpu.memory_space<semaphore_mem>>
      %dma_start3A_469 = arith.constant 0 : i32
      %dma_start3A_470 = tpu.memref_slice %arg2[%add3A, %dma_start3A_469] : memref<32x512xi32, #tpu.memory_space<hbm>> -> memref<1x512xi32, #tpu.memory_space<hbm>>
      %dma_start3A_471 = tpu.memref_squeeze %dma_start3A_470 : memref<1x512xi32, #tpu.memory_space<hbm>> -> memref<512xi32, #tpu.memory_space<hbm>>
      %dma_start3A_472 = arith.constant 0 : i32
      %dma_start3A_473 = tpu.memref_slice %arg2[%add3A, %dma_start3A_472] : memref<32x512xi32, #tpu.memory_space<hbm>> -> memref<1x512xi32, #tpu.memory_space<hbm>>
      %dma_start3A_474 = tpu.memref_squeeze %dma_start3A_473 : memref<1x512xi32, #tpu.memory_space<hbm>> -> memref<512xi32, #tpu.memory_space<hbm>>
      tpu.enqueue_dma source(%dma_start3A_474 : memref<512xi32, #tpu.memory_space<hbm>>) target(%arg8 : memref<512xi32, #tpu.memory_space<vmem>>) target_semaphore(%run_scoped3A : memref<!tpu.dma_semaphore, #tpu.memory_space<semaphore_mem>>)
      %dma_wait3A_475 = arith.constant 0 : i32
      %dma_wait3A_476 = tpu.memref_slice %arg2[%add3A, %dma_wait3A_475] : memref<32x512xi32, #tpu.memory_space<hbm>> -> memref<1x512xi32, #tpu.memory_space<hbm>>
      %dma_wait3A_477 = tpu.memref_squeeze %dma_wait3A_476 : memref<1x512xi32, #tpu.memory_space<hbm>> -> memref<512xi32, #tpu.memory_space<hbm>>
      %dma_wait3A_478 = arith.constant 0 : i32
      %dma_wait3A_479 = tpu.memref_slice %arg2[%add3A, %dma_wait3A_478] : memref<32x512xi32, #tpu.memory_space<hbm>> -> memref<1x512xi32, #tpu.memory_space<hbm>>
      %dma_wait3A_480 = tpu.memref_squeeze %dma_wait3A_479 : memref<1x512xi32, #tpu.memory_space<hbm>> -> memref<512xi32, #tpu.memory_space<hbm>>
      tpu.wait_dma2 semaphore(%run_scoped3A : memref<!tpu.dma_semaphore, #tpu.memory_space<semaphore_mem>>) src(%dma_wait3A_480 : memref<512xi32, #tpu.memory_space<hbm>>) dst(%arg8 : memref<512xi32, #tpu.memory_space<vmem>>)
      tpu.yield
    }) : () -> ()
    "tpu.region"() ({
      %run_scoped3A = tpu.sem_alloc : memref<!tpu.dma_semaphore, #tpu.memory_space<semaphore_mem>>
      %dma_start3A_469 = arith.constant 0 : i32
      %dma_start3A_470 = tpu.memref_slice %arg3[%add3A, %dma_start3A_469] : memref<32x512xi32, #tpu.memory_space<hbm>> -> memref<1x512xi32, #tpu.memory_space<hbm>>
      %dma_start3A_471 = tpu.memref_squeeze %dma_start3A_470 : memref<1x512xi32, #tpu.memory_space<hbm>> -> memref<512xi32, #tpu.memory_space<hbm>>
      %dma_start3A_472 = arith.constant 0 : i32
      %dma_start3A_473 = tpu.memref_slice %arg3[%add3A, %dma_start3A_472] : memref<32x512xi32, #tpu.memory_space<hbm>> -> memref<1x512xi32, #tpu.memory_space<hbm>>
      %dma_start3A_474 = tpu.memref_squeeze %dma_start3A_473 : memref<1x512xi32, #tpu.memory_space<hbm>> -> memref<512xi32, #tpu.memory_space<hbm>>
      tpu.enqueue_dma source(%dma_start3A_474 : memref<512xi32, #tpu.memory_space<hbm>>) target(%arg10 : memref<512xi32, #tpu.memory_space<vmem>>) target_semaphore(%run_scoped3A : memref<!tpu.dma_semaphore, #tpu.memory_space<semaphore_mem>>)
      %dma_wait3A_475 = arith.constant 0 : i32
      %dma_wait3A_476 = tpu.memref_slice %arg3[%add3A, %dma_wait3A_475] : memref<32x512xi32, #tpu.memory_space<hbm>> -> memref<1x512xi32, #tpu.memory_space<hbm>>
      %dma_wait3A_477 = tpu.memref_squeeze %dma_wait3A_476 : memref<1x512xi32, #tpu.memory_space<hbm>> -> memref<512xi32, #tpu.memory_space<hbm>>
      %dma_wait3A_478 = arith.constant 0 : i32
      %dma_wait3A_479 = tpu.memref_slice %arg3[%add3A, %dma_wait3A_478] : memref<32x512xi32, #tpu.memory_space<hbm>> -> memref<1x512xi32, #tpu.memory_space<hbm>>
      %dma_wait3A_480 = tpu.memref_squeeze %dma_wait3A_479 : memref<1x512xi32, #tpu.memory_space<hbm>> -> memref<512xi32, #tpu.memory_space<hbm>>
      tpu.wait_dma2 semaphore(%run_scoped3A : memref<!tpu.dma_semaphore, #tpu.memory_space<semaphore_mem>>) src(%dma_wait3A_480 : memref<512xi32, #tpu.memory_space<hbm>>) dst(%arg10 : memref<512xi32, #tpu.memory_space<vmem>>)
      tpu.yield
    }) : () -> ()
    "tpu.region"() ({
      %run_scoped3A = tpu.sem_alloc : memref<!tpu.dma_semaphore, #tpu.memory_space<semaphore_mem>>
      tpu.enqueue_dma source(%arg6 : memref<16xf32, #tpu.memory_space<hbm>>) target(%arg15 : memref<16xf32, #tpu.memory_space<vmem>>) target_semaphore(%run_scoped3A : memref<!tpu.dma_semaphore, #tpu.memory_space<semaphore_mem>>)
      tpu.wait_dma2 semaphore(%run_scoped3A : memref<!tpu.dma_semaphore, #tpu.memory_space<semaphore_mem>>) src(%arg6 : memref<16xf32, #tpu.memory_space<hbm>>) dst(%arg15 : memref<16xf32, #tpu.memory_space<vmem>>)
      tpu.yield
    }) : () -> ()
    %scan3A = arith.constant 0 : i32
    %scan3A_1 = arith.constant 0 : i32
    %scan3A_2 = arith.constant 32 : i32
    %scan3A_3 = arith.addi %scan3A_1, %scan3A_2 : i32
    %scan3A_4 = arith.constant 1 : i32
    scf.for %scan3A_469 = %scan3A_1 to %scan3A_3 step %scan3A_4  : i32 {
      %mul3A_470 = arith.constant 16 : i32
      %mul3A_471 = arith.muli %scan3A_469, %mul3A_470 : i32
      %get3A_472 = arith.index_cast %mul3A_471 : i32 to index
      %get3A_473 = tpu.vector_load %arg8[%get3A_472] {strides = array<i32>} : memref<512xi32, #tpu.memory_space<vmem>>, vector<16xi32>,
      %get3A_474 = arith.index_cast %mul3A_471 : i32 to index
      %get3A_475 = tpu.vector_load %arg10[%get3A_474] {strides = array<i32>} : memref<512xi32, #tpu.memory_space<vmem>>, vector<16xi32>,
      %and3A = arith.constant 127 : i32
      %and3A_476 = vector.broadcast %and3A : i32 to vector<16xi32>
      %and3A_477 = arith.andi %get3A_473, %and3A_476 : vector<16xi32>
      %swap3A = arith.index_cast %mul3A_471 : i32 to index
      %swap3A_478 = tpu.vector_load %arg9[%swap3A] {strides = array<i32>} : memref<512xi32, #tpu.memory_space<vmem>>, vector<16xi32>,
      tpu.vector_store %arg9[%swap3A], %and3A_477 {strides = array<i32>} : memref<512xi32, #tpu.memory_space<vmem>>, vector<16xi32>,
      %shift_right_arithmetic3A = arith.constant 7 : i32
      %shift_right_arithmetic3A_479 = vector.broadcast %shift_right_arithmetic3A : i32 to vector<16xi32>
      %shift_right_arithmetic3A_480 = arith.shrsi %get3A_473, %shift_right_arithmetic3A_479 : vector<16xi32>
      %swap3A_481 = arith.index_cast %mul3A_471 : i32 to index
      %swap3A_482 = tpu.vector_load %arg8[%swap3A_481] {strides = array<i32>} : memref<512xi32, #tpu.memory_space<vmem>>, vector<16xi32>,
      tpu.vector_store %arg8[%swap3A_481], %shift_right_arithmetic3A_480 {strides = array<i32>} : memref<512xi32, #tpu.memory_space<vmem>>, vector<16xi32>,
      %and3A_483 = arith.constant 127 : i32
      %and3A_484 = vector.broadcast %and3A_483 : i32 to vector<16xi32>
      %and3A_485 = arith.andi %get3A_475, %and3A_484 : vector<16xi32>
      %swap3A_486 = arith.index_cast %mul3A_471 : i32 to index
      %swap3A_487 = tpu.vector_load %arg11[%swap3A_486] {strides = array<i32>} : memref<512xi32, #tpu.memory_space<vmem>>, vector<16xi32>,
      tpu.vector_store %arg11[%swap3A_486], %and3A_485 {strides = array<i32>} : memref<512xi32, #tpu.memory_space<vmem>>, vector<16xi32>,
      %shift_right_arithmetic3A_488 = arith.constant 7 : i32
      %shift_right_arithmetic3A_489 = vector.broadcast %shift_right_arithmetic3A_488 : i32 to vector<16xi32>
      %shift_right_arithmetic3A_490 = arith.shrsi %get3A_475, %shift_right_arithmetic3A_489 : vector<16xi32>
      %swap3A_491 = arith.index_cast %mul3A_471 : i32 to index
      %swap3A_492 = tpu.vector_load %arg10[%swap3A_491] {strides = array<i32>} : memref<512xi32, #tpu.memory_space<vmem>>, vector<16xi32>,
      tpu.vector_store %arg10[%swap3A_491], %shift_right_arithmetic3A_490 {strides = array<i32>} : memref<512xi32, #tpu.memory_space<vmem>>, vector<16xi32>,
    }
    %scan3A_5 = arith.constant 32 : i32
    %iota3A = tpu.iota {dimensions = array<i32: 0>} : vector<16xi32>
    %get3A = arith.constant 0 : index
    %get3A_6 = tpu.vector_load %arg15[%get3A] {strides = array<i32>} : memref<16xf32, #tpu.memory_space<vmem>>, vector<16xf32>,
    %dma_start3A = arith.constant 0 : i32
    %dma_start3A_7 = arith.constant 0 : i32
    %dma_start3A_8 = arith.constant 0 : i32
    %dma_start3A_9 = tpu.memref_slice %arg12[%dma_start3A, %dma_start3A_7, %dma_start3A_8] : memref<2x64x128xf32, #tpu.memory_space<vmem>> -> memref<1x64x128xf32, #tpu.memory_space<vmem>>
    %dma_start3A_10 = tpu.memref_squeeze %dma_start3A_9 : memref<1x64x128xf32, #tpu.memory_space<vmem>> -> memref<64x128xf32, #tpu.memory_space<vmem>>
    %dma_start3A_11 = arith.constant 0 : i32
    %dma_start3A_12 = tpu.memref_slice %arg8[%dma_start3A_11] : memref<512xi32, #tpu.memory_space<vmem>> -> memref<64xi32, #tpu.memory_space<vmem>>
    %dma_start3A_13 = arith.constant 0 : i32
    %dma_start3A_14 = arith.constant 0 : i32
    %dma_start3A_15 = tpu.memref_slice %arg4[%dma_start3A_13, %dma_start3A_14] : memref<7872x128xf32, #tpu.memory_space<hbm>> -> memref<7872x128xf32, #tpu.memory_space<hbm>>
    tpu.enqueue_indirect_dma source(%dma_start3A_15 : memref<7872x128xf32, #tpu.memory_space<hbm>>) target(%dma_start3A_10 : memref<64x128xf32, #tpu.memory_space<vmem>>) offsets(%dma_start3A_12 : memref<64xi32, #tpu.memory_space<vmem>>) semaphore(%arg16 : memref<!tpu.dma_semaphore, #tpu.memory_space<semaphore_mem>>)
    %dma_start3A_16 = arith.constant 0 : i32
    %dma_start3A_17 = arith.constant 0 : i32
    %dma_start3A_18 = arith.constant 0 : i32
    %dma_start3A_19 = tpu.memref_slice %arg13[%dma_start3A_16, %dma_start3A_17, %dma_start3A_18] : memref<2x64x128xf32, #tpu.memory_space<vmem>> -> memref<1x64x128xf32, #tpu.memory_space<vmem>>
    %dma_start3A_20 = tpu.memref_squeeze %dma_start3A_19 : memref<1x64x128xf32, #tpu.memory_space<vmem>> -> memref<64x128xf32, #tpu.memory_space<vmem>>
    %dma_start3A_21 = arith.constant 0 : i32
    %dma_start3A_22 = tpu.memref_slice %arg10[%dma_start3A_21] : memref<512xi32, #tpu.memory_space<vmem>> -> memref<64xi32, #tpu.memory_space<vmem>>
    %dma_start3A_23 = arith.constant 0 : i32
    %dma_start3A_24 = arith.constant 0 : i32
    %dma_start3A_25 = tpu.memref_slice %arg5[%dma_start3A_23, %dma_start3A_24] : memref<7872x128xf32, #tpu.memory_space<hbm>> -> memref<7872x128xf32, #tpu.memory_space<hbm>>
    tpu.enqueue_indirect_dma source(%dma_start3A_25 : memref<7872x128xf32, #tpu.memory_space<hbm>>) target(%dma_start3A_20 : memref<64x128xf32, #tpu.memory_space<vmem>>) offsets(%dma_start3A_22 : memref<64xi32, #tpu.memory_space<vmem>>) semaphore(%arg18 : memref<!tpu.dma_semaphore, #tpu.memory_space<semaphore_mem>>)
    %dma_start3A_26 = arith.constant 1 : i32
    %dma_start3A_27 = arith.constant 0 : i32
    %dma_start3A_28 = arith.constant 0 : i32
    %dma_start3A_29 = tpu.memref_slice %arg12[%dma_start3A_26, %dma_start3A_27, %dma_start3A_28] : memref<2x64x128xf32, #tpu.memory_space<vmem>> -> memref<1x64x128xf32, #tpu.memory_space<vmem>>
    %dma_start3A_30 = tpu.memref_squeeze %dma_start3A_29 : memref<1x64x128xf32, #tpu.memory_space<vmem>> -> memref<64x128xf32, #tpu.memory_space<vmem>>
    %dma_start3A_31 = arith.constant 64 : i32
    %dma_start3A_32 = tpu.memref_slice %arg8[%dma_start3A_31] : memref<512xi32, #tpu.memory_space<vmem>> -> memref<64xi32, #tpu.memory_space<vmem>>
    %dma_start3A_33 = arith.constant 0 : i32
    %dma_start3A_34 = arith.constant 0 : i32
    %dma_start3A_35 = tpu.memref_slice %arg4[%dma_start3A_33, %dma_start3A_34] : memref<7872x128xf32, #tpu.memory_space<hbm>> -> memref<7872x128xf32, #tpu.memory_space<hbm>>
    tpu.enqueue_indirect_dma source(%dma_start3A_35 : memref<7872x128xf32, #tpu.memory_space<hbm>>) target(%dma_start3A_30 : memref<64x128xf32, #tpu.memory_space<vmem>>) offsets(%dma_start3A_32 : memref<64xi32, #tpu.memory_space<vmem>>) semaphore(%arg17 : memref<!tpu.dma_semaphore, #tpu.memory_space<semaphore_mem>>)
    %dma_start3A_36 = arith.constant 1 : i32
    %dma_start3A_37 = arith.constant 0 : i32
    %dma_start3A_38 = arith.constant 0 : i32
    %dma_start3A_39 = tpu.memref_slice %arg13[%dma_start3A_36, %dma_start3A_37, %dma_start3A_38] : memref<2x64x128xf32, #tpu.memory_space<vmem>> -> memref<1x64x128xf32, #tpu.memory_space<vmem>>
    %dma_start3A_40 = tpu.memref_squeeze %dma_start3A_39 : memref<1x64x128xf32, #tpu.memory_space<vmem>> -> memref<64x128xf32, #tpu.memory_space<vmem>>
    %dma_start3A_41 = arith.constant 64 : i32
    %dma_start3A_42 = tpu.memref_slice %arg10[%dma_start3A_41] : memref<512xi32, #tpu.memory_space<vmem>> -> memref<64xi32, #tpu.memory_space<vmem>>
    %dma_start3A_43 = arith.constant 0 : i32
    %dma_start3A_44 = arith.constant 0 : i32
    %dma_start3A_45 = tpu.memref_slice %arg5[%dma_start3A_43, %dma_start3A_44] : memref<7872x128xf32, #tpu.memory_space<hbm>> -> memref<7872x128xf32, #tpu.memory_space<hbm>>
    tpu.enqueue_indirect_dma source(%dma_start3A_45 : memref<7872x128xf32, #tpu.memory_space<hbm>>) target(%dma_start3A_40 : memref<64x128xf32, #tpu.memory_space<vmem>>) offsets(%dma_start3A_42 : memref<64xi32, #tpu.memory_space<vmem>>) semaphore(%arg19 : memref<!tpu.dma_semaphore, #tpu.memory_space<semaphore_mem>>)
    %dma_wait3A = arith.constant 0 : i32
    %dma_wait3A_46 = arith.constant 0 : i32
    %dma_wait3A_47 = arith.constant 0 : i32
    %dma_wait3A_48 = tpu.memref_slice %arg12[%dma_wait3A, %dma_wait3A_46, %dma_wait3A_47] : memref<2x64x128xf32, #tpu.memory_space<vmem>> -> memref<1x64x128xf32, #tpu.memory_space<vmem>>
    %dma_wait3A_49 = tpu.memref_squeeze %dma_wait3A_48 : memref<1x64x128xf32, #tpu.memory_space<vmem>> -> memref<64x128xf32, #tpu.memory_space<vmem>>
    %dma_wait3A_50 = arith.constant 0 : i32
    %dma_wait3A_51 = arith.constant 0 : i32
    %dma_wait3A_52 = tpu.memref_slice %arg4[%dma_wait3A_50, %dma_wait3A_51] : memref<7872x128xf32, #tpu.memory_space<hbm>> -> memref<64x128xf32, #tpu.memory_space<hbm>>
    %dma_wait3A_53 = arith.constant 0 : i32
    %dma_wait3A_54 = arith.constant 0 : i32
    %dma_wait3A_55 = tpu.memref_slice %arg12[%dma_wait3A, %dma_wait3A_53, %dma_wait3A_54] : memref<2x64x128xf32, #tpu.memory_space<vmem>> -> memref<1x64x128xf32, #tpu.memory_space<vmem>>
    %dma_wait3A_56 = tpu.memref_squeeze %dma_wait3A_55 : memref<1x64x128xf32, #tpu.memory_space<vmem>> -> memref<64x128xf32, #tpu.memory_space<vmem>>
    %dma_wait3A_57 = arith.constant 0 : i32
    %dma_wait3A_58 = arith.constant 0 : i32
    %dma_wait3A_59 = tpu.memref_slice %arg4[%dma_wait3A_57, %dma_wait3A_58] : memref<7872x128xf32, #tpu.memory_space<hbm>> -> memref<64x128xf32, #tpu.memory_space<hbm>>
    tpu.wait_dma2 semaphore(%arg16 : memref<!tpu.dma_semaphore, #tpu.memory_space<semaphore_mem>>) src(%dma_wait3A_59 : memref<64x128xf32, #tpu.memory_space<hbm>>) dst(%dma_wait3A_56 : memref<64x128xf32, #tpu.memory_space<vmem>>)
    %dma_wait3A_60 = arith.constant 0 : i32
    %dma_wait3A_61 = arith.constant 0 : i32
    %dma_wait3A_62 = arith.constant 0 : i32
    %dma_wait3A_63 = tpu.memref_slice %arg13[%dma_wait3A_60, %dma_wait3A_61, %dma_wait3A_62] : memref<2x64x128xf32, #tpu.memory_space<vmem>> -> memref<1x64x128xf32, #tpu.memory_space<vmem>>
    %dma_wait3A_64 = tpu.memref_squeeze %dma_wait3A_63 : memref<1x64x128xf32, #tpu.memory_space<vmem>> -> memref<64x128xf32, #tpu.memory_space<vmem>>
    %dma_wait3A_65 = arith.constant 0 : i32
    %dma_wait3A_66 = arith.constant 0 : i32
    %dma_wait3A_67 = tpu.memref_slice %arg5[%dma_wait3A_65, %dma_wait3A_66] : memref<7872x128xf32, #tpu.memory_space<hbm>> -> memref<64x128xf32, #tpu.memory_space<hbm>>
    %dma_wait3A_68 = arith.constant 0 : i32
    %dma_wait3A_69 = arith.constant 0 : i32
    %dma_wait3A_70 = tpu.memref_slice %arg13[%dma_wait3A_60, %dma_wait3A_68, %dma_wait3A_69] : memref<2x64x128xf32, #tpu.memory_space<vmem>> -> memref<1x64x128xf32, #tpu.memory_space<vmem>>
    %dma_wait3A_71 = tpu.memref_squeeze %dma_wait3A_70 : memref<1x64x128xf32, #tpu.memory_space<vmem>> -> memref<64x128xf32, #tpu.memory_space<vmem>>
    %dma_wait3A_72 = arith.constant 0 : i32
    %dma_wait3A_73 = arith.constant 0 : i32
    %dma_wait3A_74 = tpu.memref_slice %arg5[%dma_wait3A_72, %dma_wait3A_73] : memref<7872x128xf32, #tpu.memory_space<hbm>> -> memref<64x128xf32, #tpu.memory_space<hbm>>
    tpu.wait_dma2 semaphore(%arg18 : memref<!tpu.dma_semaphore, #tpu.memory_space<semaphore_mem>>) src(%dma_wait3A_74 : memref<64x128xf32, #tpu.memory_space<hbm>>) dst(%dma_wait3A_71 : memref<64x128xf32, #tpu.memory_space<vmem>>)
    %scan3A_75 = arith.constant 0 : i32
    %scan3A_76 = arith.constant 0 : i32
    %scan3A_77 = arith.constant 0 : i32
    %scan3A_78 = arith.constant 0 : i32
    %scan3A_79 = arith.constant 4 : i32
    %scan3A_80 = arith.addi %scan3A_78, %scan3A_79 : i32
    %scan3A_81 = arith.constant 1 : i32
    scf.for %scan3A_469 = %scan3A_78 to %scan3A_80 step %scan3A_81  : i32 {
      %add3A_470 = arith.constant 0 : i32
      %add3A_471 = arith.addi %add3A_470, %scan3A_469 : i32
      %mul3A_472 = arith.constant 16 : i32
      %mul3A_473 = arith.muli %scan3A_469, %mul3A_472 : i32
      %add3A_474 = vector.broadcast %mul3A_473 : i32 to vector<16xi32>
      %add3A_475 = arith.addi %add3A_474, %iota3A : vector<16xi32>
      %mul3A_476 = arith.constant 16 : i32
      %mul3A_477 = arith.muli %add3A_471, %mul3A_476 : i32
      %get3A_478 = arith.index_cast %mul3A_477 : i32 to index
      %get3A_479 = tpu.vector_load %arg9[%get3A_478] {strides = array<i32>} : memref<512xi32, #tpu.memory_space<vmem>>, vector<16xi32>,
      %mul3A_480 = arith.constant 16 : i32
      %mul3A_481 = arith.muli %add3A_471, %mul3A_480 : i32
      %get3A_482 = arith.index_cast %mul3A_481 : i32 to index
      %get3A_483 = tpu.vector_load %arg11[%get3A_482] {strides = array<i32>} : memref<512xi32, #tpu.memory_space<vmem>>, vector<16xi32>,
      %gather3A = arith.constant 0 : i32
      %gather3A_484 = arith.constant 0 : i32
      %gather3A_485 = tpu.memref_slice %arg12[%scan3A_76, %gather3A, %gather3A_484] : memref<2x64x128xf32, #tpu.memory_space<vmem>> -> memref<1x64x128xf32, #tpu.memory_space<vmem>>
      %gather3A_486 = tpu.memref_squeeze %gather3A_485 : memref<1x64x128xf32, #tpu.memory_space<vmem>> -> memref<64x128xf32, #tpu.memory_space<vmem>>
      %gather3A_487 = tpu.vector_load_idx %gather3A_486[%add3A_475, %get3A_479] : memref<64x128xf32, #tpu.memory_space<vmem>>[vector<16xi32>, vector<16xi32>], vector<16xf32>,
      %gather3A_488 = arith.constant 0 : i32
      %gather3A_489 = arith.constant 0 : i32
      %gather3A_490 = tpu.memref_slice %arg13[%scan3A_77, %gather3A_488, %gather3A_489] : memref<2x64x128xf32, #tpu.memory_space<vmem>> -> memref<1x64x128xf32, #tpu.memory_space<vmem>>
      %gather3A_491 = tpu.memref_squeeze %gather3A_490 : memref<1x64x128xf32, #tpu.memory_space<vmem>> -> memref<64x128xf32, #tpu.memory_space<vmem>>
      %gather3A_492 = tpu.vector_load_idx %gather3A_491[%add3A_475, %get3A_483] : memref<64x128xf32, #tpu.memory_space<vmem>>[vector<16xi32>, vector<16xi32>], vector<16xf32>,
      %add3A_493 = arith.addf %gather3A_487, %gather3A_492 : vector<16xf32>
      %add3A_494 = arith.addf %add3A_493, %get3A_6 : vector<16xf32>
      %mul3A_495 = arith.constant 16 : i32
      %mul3A_496 = arith.muli %add3A_471, %mul3A_495 : i32
      %swap3A = arith.index_cast %mul3A_496 : i32 to index
      %swap3A_497 = tpu.vector_load %arg14[%swap3A] {strides = array<i32>} : memref<512xf32, #tpu.memory_space<vmem>>, vector<16xf32>,
      tpu.vector_store %arg14[%swap3A], %add3A_494 {strides = array<i32>} : memref<512xf32, #tpu.memory_space<vmem>>, vector<16xf32>,
    }
    %scan3A_82 = arith.constant 4 : i32
    %dma_start3A_83 = arith.constant 0 : i32
    %dma_start3A_84 = arith.constant 0 : i32
    %dma_start3A_85 = arith.constant 0 : i32
    %dma_start3A_86 = tpu.memref_slice %arg12[%dma_start3A_83, %dma_start3A_84, %dma_start3A_85] : memref<2x64x128xf32, #tpu.memory_space<vmem>> -> memref<1x64x128xf32, #tpu.memory_space<vmem>>
    %dma_start3A_87 = tpu.memref_squeeze %dma_start3A_86 : memref<1x64x128xf32, #tpu.memory_space<vmem>> -> memref<64x128xf32, #tpu.memory_space<vmem>>
    %dma_start3A_88 = arith.constant 128 : i32
    %dma_start3A_89 = tpu.memref_slice %arg8[%dma_start3A_88] : memref<512xi32, #tpu.memory_space<vmem>> -> memref<64xi32, #tpu.memory_space<vmem>>
    %dma_start3A_90 = arith.constant 0 : i32
    %dma_start3A_91 = arith.constant 0 : i32
    %dma_start3A_92 = tpu.memref_slice %arg4[%dma_start3A_90, %dma_start3A_91] : memref<7872x128xf32, #tpu.memory_space<hbm>> -> memref<7872x128xf32, #tpu.memory_space<hbm>>
    tpu.enqueue_indirect_dma source(%dma_start3A_92 : memref<7872x128xf32, #tpu.memory_space<hbm>>) target(%dma_start3A_87 : memref<64x128xf32, #tpu.memory_space<vmem>>) offsets(%dma_start3A_89 : memref<64xi32, #tpu.memory_space<vmem>>) semaphore(%arg16 : memref<!tpu.dma_semaphore, #tpu.memory_space<semaphore_mem>>)
    %dma_start3A_93 = arith.constant 0 : i32
    %dma_start3A_94 = arith.constant 0 : i32
    %dma_start3A_95 = arith.constant 0 : i32
    %dma_start3A_96 = tpu.memref_slice %arg13[%dma_start3A_93, %dma_start3A_94, %dma_start3A_95] : memref<2x64x128xf32, #tpu.memory_space<vmem>> -> memref<1x64x128xf32, #tpu.memory_space<vmem>>
    %dma_start3A_97 = tpu.memref_squeeze %dma_start3A_96 : memref<1x64x128xf32, #tpu.memory_space<vmem>> -> memref<64x128xf32, #tpu.memory_space<vmem>>
    %dma_start3A_98 = arith.constant 128 : i32
    %dma_start3A_99 = tpu.memref_slice %arg10[%dma_start3A_98] : memref<512xi32, #tpu.memory_space<vmem>> -> memref<64xi32, #tpu.memory_space<vmem>>
    %dma_start3A_100 = arith.constant 0 : i32
    %dma_start3A_101 = arith.constant 0 : i32
    %dma_start3A_102 = tpu.memref_slice %arg5[%dma_start3A_100, %dma_start3A_101] : memref<7872x128xf32, #tpu.memory_space<hbm>> -> memref<7872x128xf32, #tpu.memory_space<hbm>>
    tpu.enqueue_indirect_dma source(%dma_start3A_102 : memref<7872x128xf32, #tpu.memory_space<hbm>>) target(%dma_start3A_97 : memref<64x128xf32, #tpu.memory_space<vmem>>) offsets(%dma_start3A_99 : memref<64xi32, #tpu.memory_space<vmem>>) semaphore(%arg18 : memref<!tpu.dma_semaphore, #tpu.memory_space<semaphore_mem>>)
    %dma_wait3A_103 = arith.constant 1 : i32
    %dma_wait3A_104 = arith.constant 0 : i32
    %dma_wait3A_105 = arith.constant 0 : i32
    %dma_wait3A_106 = tpu.memref_slice %arg12[%dma_wait3A_103, %dma_wait3A_104, %dma_wait3A_105] : memref<2x64x128xf32, #tpu.memory_space<vmem>> -> memref<1x64x128xf32, #tpu.memory_space<vmem>>
    %dma_wait3A_107 = tpu.memref_squeeze %dma_wait3A_106 : memref<1x64x128xf32, #tpu.memory_space<vmem>> -> memref<64x128xf32, #tpu.memory_space<vmem>>
    %dma_wait3A_108 = arith.constant 0 : i32
    %dma_wait3A_109 = arith.constant 0 : i32
    %dma_wait3A_110 = tpu.memref_slice %arg4[%dma_wait3A_108, %dma_wait3A_109] : memref<7872x128xf32, #tpu.memory_space<hbm>> -> memref<64x128xf32, #tpu.memory_space<hbm>>
    %dma_wait3A_111 = arith.constant 0 : i32
    %dma_wait3A_112 = arith.constant 0 : i32
    %dma_wait3A_113 = tpu.memref_slice %arg12[%dma_wait3A_103, %dma_wait3A_111, %dma_wait3A_112] : memref<2x64x128xf32, #tpu.memory_space<vmem>> -> memref<1x64x128xf32, #tpu.memory_space<vmem>>
    %dma_wait3A_114 = tpu.memref_squeeze %dma_wait3A_113 : memref<1x64x128xf32, #tpu.memory_space<vmem>> -> memref<64x128xf32, #tpu.memory_space<vmem>>
    %dma_wait3A_115 = arith.constant 0 : i32
    %dma_wait3A_116 = arith.constant 0 : i32
    %dma_wait3A_117 = tpu.memref_slice %arg4[%dma_wait3A_115, %dma_wait3A_116] : memref<7872x128xf32, #tpu.memory_space<hbm>> -> memref<64x128xf32, #tpu.memory_space<hbm>>
    tpu.wait_dma2 semaphore(%arg17 : memref<!tpu.dma_semaphore, #tpu.memory_space<semaphore_mem>>) src(%dma_wait3A_117 : memref<64x128xf32, #tpu.memory_space<hbm>>) dst(%dma_wait3A_114 : memref<64x128xf32, #tpu.memory_space<vmem>>)
    %dma_wait3A_118 = arith.constant 1 : i32
    %dma_wait3A_119 = arith.constant 0 : i32
    %dma_wait3A_120 = arith.constant 0 : i32
    %dma_wait3A_121 = tpu.memref_slice %arg13[%dma_wait3A_118, %dma_wait3A_119, %dma_wait3A_120] : memref<2x64x128xf32, #tpu.memory_space<vmem>> -> memref<1x64x128xf32, #tpu.memory_space<vmem>>
    %dma_wait3A_122 = tpu.memref_squeeze %dma_wait3A_121 : memref<1x64x128xf32, #tpu.memory_space<vmem>> -> memref<64x128xf32, #tpu.memory_space<vmem>>
    %dma_wait3A_123 = arith.constant 0 : i32
    %dma_wait3A_124 = arith.constant 0 : i32
    %dma_wait3A_125 = tpu.memref_slice %arg5[%dma_wait3A_123, %dma_wait3A_124] : memref<7872x128xf32, #tpu.memory_space<hbm>> -> memref<64x128xf32, #tpu.memory_space<hbm>>
    %dma_wait3A_126 = arith.constant 0 : i32
    %dma_wait3A_127 = arith.constant 0 : i32
    %dma_wait3A_128 = tpu.memref_slice %arg13[%dma_wait3A_118, %dma_wait3A_126, %dma_wait3A_127] : memref<2x64x128xf32, #tpu.memory_space<vmem>> -> memref<1x64x128xf32, #tpu.memory_space<vmem>>
    %dma_wait3A_129 = tpu.memref_squeeze %dma_wait3A_128 : memref<1x64x128xf32, #tpu.memory_space<vmem>> -> memref<64x128xf32, #tpu.memory_space<vmem>>
    %dma_wait3A_130 = arith.constant 0 : i32
    %dma_wait3A_131 = arith.constant 0 : i32
    %dma_wait3A_132 = tpu.memref_slice %arg5[%dma_wait3A_130, %dma_wait3A_131] : memref<7872x128xf32, #tpu.memory_space<hbm>> -> memref<64x128xf32, #tpu.memory_space<hbm>>
    tpu.wait_dma2 semaphore(%arg19 : memref<!tpu.dma_semaphore, #tpu.memory_space<semaphore_mem>>) src(%dma_wait3A_132 : memref<64x128xf32, #tpu.memory_space<hbm>>) dst(%dma_wait3A_129 : memref<64x128xf32, #tpu.memory_space<vmem>>)
    %scan3A_133 = arith.constant 0 : i32
    %scan3A_134 = arith.constant 1 : i32
    %scan3A_135 = arith.constant 1 : i32
    %scan3A_136 = arith.constant 0 : i32
    %scan3A_137 = arith.constant 4 : i32
    %scan3A_138 = arith.addi %scan3A_136, %scan3A_137 : i32
    %scan3A_139 = arith.constant 1 : i32
    scf.for %scan3A_469 = %scan3A_136 to %scan3A_138 step %scan3A_139  : i32 {
      %add3A_470 = arith.constant 4 : i32
      %add3A_471 = arith.addi %add3A_470, %scan3A_469 : i32
      %mul3A_472 = arith.constant 16 : i32
      %mul3A_473 = arith.muli %scan3A_469, %mul3A_472 : i32
      %add3A_474 = vector.broadcast %mul3A_473 : i32 to vector<16xi32>
      %add3A_475 = arith.addi %add3A_474, %iota3A : vector<16xi32>
      %mul3A_476 = arith.constant 16 : i32
      %mul3A_477 = arith.muli %add3A_471, %mul3A_476 : i32
      %get3A_478 = arith.index_cast %mul3A_477 : i32 to index
      %get3A_479 = tpu.vector_load %arg9[%get3A_478] {strides = array<i32>} : memref<512xi32, #tpu.memory_space<vmem>>, vector<16xi32>,
      %mul3A_480 = arith.constant 16 : i32
      %mul3A_481 = arith.muli %add3A_471, %mul3A_480 : i32
      %get3A_482 = arith.index_cast %mul3A_481 : i32 to index
      %get3A_483 = tpu.vector_load %arg11[%get3A_482] {strides = array<i32>} : memref<512xi32, #tpu.memory_space<vmem>>, vector<16xi32>,
      %gather3A = arith.constant 0 : i32
      %gather3A_484 = arith.constant 0 : i32
      %gather3A_485 = tpu.memref_slice %arg12[%scan3A_134, %gather3A, %gather3A_484] : memref<2x64x128xf32, #tpu.memory_space<vmem>> -> memref<1x64x128xf32, #tpu.memory_space<vmem>>
      %gather3A_486 = tpu.memref_squeeze %gather3A_485 : memref<1x64x128xf32, #tpu.memory_space<vmem>> -> memref<64x128xf32, #tpu.memory_space<vmem>>
      %gather3A_487 = tpu.vector_load_idx %gather3A_486[%add3A_475, %get3A_479] : memref<64x128xf32, #tpu.memory_space<vmem>>[vector<16xi32>, vector<16xi32>], vector<16xf32>,
      %gather3A_488 = arith.constant 0 : i32
      %gather3A_489 = arith.constant 0 : i32
      %gather3A_490 = tpu.memref_slice %arg13[%scan3A_135, %gather3A_488, %gather3A_489] : memref<2x64x128xf32, #tpu.memory_space<vmem>> -> memref<1x64x128xf32, #tpu.memory_space<vmem>>
      %gather3A_491 = tpu.memref_squeeze %gather3A_490 : memref<1x64x128xf32, #tpu.memory_space<vmem>> -> memref<64x128xf32, #tpu.memory_space<vmem>>
      %gather3A_492 = tpu.vector_load_idx %gather3A_491[%add3A_475, %get3A_483] : memref<64x128xf32, #tpu.memory_space<vmem>>[vector<16xi32>, vector<16xi32>], vector<16xf32>,
      %add3A_493 = arith.addf %gather3A_487, %gather3A_492 : vector<16xf32>
      %add3A_494 = arith.addf %add3A_493, %get3A_6 : vector<16xf32>
      %mul3A_495 = arith.constant 16 : i32
      %mul3A_496 = arith.muli %add3A_471, %mul3A_495 : i32
      %swap3A = arith.index_cast %mul3A_496 : i32 to index
      %swap3A_497 = tpu.vector_load %arg14[%swap3A] {strides = array<i32>} : memref<512xf32, #tpu.memory_space<vmem>>, vector<16xf32>,
      tpu.vector_store %arg14[%swap3A], %add3A_494 {strides = array<i32>} : memref<512xf32, #tpu.memory_space<vmem>>, vector<16xf32>,
    }
    %scan3A_140 = arith.constant 4 : i32
    %dma_start3A_141 = arith.constant 1 : i32
    %dma_start3A_142 = arith.constant 0 : i32
    %dma_start3A_143 = arith.constant 0 : i32
    %dma_start3A_144 = tpu.memref_slice %arg12[%dma_start3A_141, %dma_start3A_142, %dma_start3A_143] : memref<2x64x128xf32, #tpu.memory_space<vmem>> -> memref<1x64x128xf32, #tpu.memory_space<vmem>>
    %dma_start3A_145 = tpu.memref_squeeze %dma_start3A_144 : memref<1x64x128xf32, #tpu.memory_space<vmem>> -> memref<64x128xf32, #tpu.memory_space<vmem>>
    %dma_start3A_146 = arith.constant 192 : i32
    %dma_start3A_147 = tpu.memref_slice %arg8[%dma_start3A_146] : memref<512xi32, #tpu.memory_space<vmem>> -> memref<64xi32, #tpu.memory_space<vmem>>
    %dma_start3A_148 = arith.constant 0 : i32
    %dma_start3A_149 = arith.constant 0 : i32
    %dma_start3A_150 = tpu.memref_slice %arg4[%dma_start3A_148, %dma_start3A_149] : memref<7872x128xf32, #tpu.memory_space<hbm>> -> memref<7872x128xf32, #tpu.memory_space<hbm>>
    tpu.enqueue_indirect_dma source(%dma_start3A_150 : memref<7872x128xf32, #tpu.memory_space<hbm>>) target(%dma_start3A_145 : memref<64x128xf32, #tpu.memory_space<vmem>>) offsets(%dma_start3A_147 : memref<64xi32, #tpu.memory_space<vmem>>) semaphore(%arg17 : memref<!tpu.dma_semaphore, #tpu.memory_space<semaphore_mem>>)
    %dma_start3A_151 = arith.constant 1 : i32
    %dma_start3A_152 = arith.constant 0 : i32
    %dma_start3A_153 = arith.constant 0 : i32
    %dma_start3A_154 = tpu.memref_slice %arg13[%dma_start3A_151, %dma_start3A_152, %dma_start3A_153] : memref<2x64x128xf32, #tpu.memory_space<vmem>> -> memref<1x64x128xf32, #tpu.memory_space<vmem>>
    %dma_start3A_155 = tpu.memref_squeeze %dma_start3A_154 : memref<1x64x128xf32, #tpu.memory_space<vmem>> -> memref<64x128xf32, #tpu.memory_space<vmem>>
    %dma_start3A_156 = arith.constant 192 : i32
    %dma_start3A_157 = tpu.memref_slice %arg10[%dma_start3A_156] : memref<512xi32, #tpu.memory_space<vmem>> -> memref<64xi32, #tpu.memory_space<vmem>>
    %dma_start3A_158 = arith.constant 0 : i32
    %dma_start3A_159 = arith.constant 0 : i32
    %dma_start3A_160 = tpu.memref_slice %arg5[%dma_start3A_158, %dma_start3A_159] : memref<7872x128xf32, #tpu.memory_space<hbm>> -> memref<7872x128xf32, #tpu.memory_space<hbm>>
    tpu.enqueue_indirect_dma source(%dma_start3A_160 : memref<7872x128xf32, #tpu.memory_space<hbm>>) target(%dma_start3A_155 : memref<64x128xf32, #tpu.memory_space<vmem>>) offsets(%dma_start3A_157 : memref<64xi32, #tpu.memory_space<vmem>>) semaphore(%arg19 : memref<!tpu.dma_semaphore, #tpu.memory_space<semaphore_mem>>)
    %dma_wait3A_161 = arith.constant 0 : i32
    %dma_wait3A_162 = arith.constant 0 : i32
    %dma_wait3A_163 = arith.constant 0 : i32
    %dma_wait3A_164 = tpu.memref_slice %arg12[%dma_wait3A_161, %dma_wait3A_162, %dma_wait3A_163] : memref<2x64x128xf32, #tpu.memory_space<vmem>> -> memref<1x64x128xf32, #tpu.memory_space<vmem>>
    %dma_wait3A_165 = tpu.memref_squeeze %dma_wait3A_164 : memref<1x64x128xf32, #tpu.memory_space<vmem>> -> memref<64x128xf32, #tpu.memory_space<vmem>>
    %dma_wait3A_166 = arith.constant 0 : i32
    %dma_wait3A_167 = arith.constant 0 : i32
    %dma_wait3A_168 = tpu.memref_slice %arg4[%dma_wait3A_166, %dma_wait3A_167] : memref<7872x128xf32, #tpu.memory_space<hbm>> -> memref<64x128xf32, #tpu.memory_space<hbm>>
    %dma_wait3A_169 = arith.constant 0 : i32
    %dma_wait3A_170 = arith.constant 0 : i32
    %dma_wait3A_171 = tpu.memref_slice %arg12[%dma_wait3A_161, %dma_wait3A_169, %dma_wait3A_170] : memref<2x64x128xf32, #tpu.memory_space<vmem>> -> memref<1x64x128xf32, #tpu.memory_space<vmem>>
    %dma_wait3A_172 = tpu.memref_squeeze %dma_wait3A_171 : memref<1x64x128xf32, #tpu.memory_space<vmem>> -> memref<64x128xf32, #tpu.memory_space<vmem>>
    %dma_wait3A_173 = arith.constant 0 : i32
    %dma_wait3A_174 = arith.constant 0 : i32
    %dma_wait3A_175 = tpu.memref_slice %arg4[%dma_wait3A_173, %dma_wait3A_174] : memref<7872x128xf32, #tpu.memory_space<hbm>> -> memref<64x128xf32, #tpu.memory_space<hbm>>
    tpu.wait_dma2 semaphore(%arg16 : memref<!tpu.dma_semaphore, #tpu.memory_space<semaphore_mem>>) src(%dma_wait3A_175 : memref<64x128xf32, #tpu.memory_space<hbm>>) dst(%dma_wait3A_172 : memref<64x128xf32, #tpu.memory_space<vmem>>)
    %dma_wait3A_176 = arith.constant 0 : i32
    %dma_wait3A_177 = arith.constant 0 : i32
    %dma_wait3A_178 = arith.constant 0 : i32
    %dma_wait3A_179 = tpu.memref_slice %arg13[%dma_wait3A_176, %dma_wait3A_177, %dma_wait3A_178] : memref<2x64x128xf32, #tpu.memory_space<vmem>> -> memref<1x64x128xf32, #tpu.memory_space<vmem>>
    %dma_wait3A_180 = tpu.memref_squeeze %dma_wait3A_179 : memref<1x64x128xf32, #tpu.memory_space<vmem>> -> memref<64x128xf32, #tpu.memory_space<vmem>>
    %dma_wait3A_181 = arith.constant 0 : i32
    %dma_wait3A_182 = arith.constant 0 : i32
    %dma_wait3A_183 = tpu.memref_slice %arg5[%dma_wait3A_181, %dma_wait3A_182] : memref<7872x128xf32, #tpu.memory_space<hbm>> -> memref<64x128xf32, #tpu.memory_space<hbm>>
    %dma_wait3A_184 = arith.constant 0 : i32
    %dma_wait3A_185 = arith.constant 0 : i32
    %dma_wait3A_186 = tpu.memref_slice %arg13[%dma_wait3A_176, %dma_wait3A_184, %dma_wait3A_185] : memref<2x64x128xf32, #tpu.memory_space<vmem>> -> memref<1x64x128xf32, #tpu.memory_space<vmem>>
    %dma_wait3A_187 = tpu.memref_squeeze %dma_wait3A_186 : memref<1x64x128xf32, #tpu.memory_space<vmem>> -> memref<64x128xf32, #tpu.memory_space<vmem>>
    %dma_wait3A_188 = arith.constant 0 : i32
    %dma_wait3A_189 = arith.constant 0 : i32
    %dma_wait3A_190 = tpu.memref_slice %arg5[%dma_wait3A_188, %dma_wait3A_189] : memref<7872x128xf32, #tpu.memory_space<hbm>> -> memref<64x128xf32, #tpu.memory_space<hbm>>
    tpu.wait_dma2 semaphore(%arg18 : memref<!tpu.dma_semaphore, #tpu.memory_space<semaphore_mem>>) src(%dma_wait3A_190 : memref<64x128xf32, #tpu.memory_space<hbm>>) dst(%dma_wait3A_187 : memref<64x128xf32, #tpu.memory_space<vmem>>)
    %scan3A_191 = arith.constant 0 : i32
    %scan3A_192 = arith.constant 0 : i32
    %scan3A_193 = arith.constant 0 : i32
    %scan3A_194 = arith.constant 0 : i32
    %scan3A_195 = arith.constant 4 : i32
    %scan3A_196 = arith.addi %scan3A_194, %scan3A_195 : i32
    %scan3A_197 = arith.constant 1 : i32
    scf.for %scan3A_469 = %scan3A_194 to %scan3A_196 step %scan3A_197  : i32 {
      %add3A_470 = arith.constant 8 : i32
      %add3A_471 = arith.addi %add3A_470, %scan3A_469 : i32
      %mul3A_472 = arith.constant 16 : i32
      %mul3A_473 = arith.muli %scan3A_469, %mul3A_472 : i32
      %add3A_474 = vector.broadcast %mul3A_473 : i32 to vector<16xi32>
      %add3A_475 = arith.addi %add3A_474, %iota3A : vector<16xi32>
      %mul3A_476 = arith.constant 16 : i32
      %mul3A_477 = arith.muli %add3A_471, %mul3A_476 : i32
      %get3A_478 = arith.index_cast %mul3A_477 : i32 to index
      %get3A_479 = tpu.vector_load %arg9[%get3A_478] {strides = array<i32>} : memref<512xi32, #tpu.memory_space<vmem>>, vector<16xi32>,
      %mul3A_480 = arith.constant 16 : i32
      %mul3A_481 = arith.muli %add3A_471, %mul3A_480 : i32
      %get3A_482 = arith.index_cast %mul3A_481 : i32 to index
      %get3A_483 = tpu.vector_load %arg11[%get3A_482] {strides = array<i32>} : memref<512xi32, #tpu.memory_space<vmem>>, vector<16xi32>,
      %gather3A = arith.constant 0 : i32
      %gather3A_484 = arith.constant 0 : i32
      %gather3A_485 = tpu.memref_slice %arg12[%scan3A_192, %gather3A, %gather3A_484] : memref<2x64x128xf32, #tpu.memory_space<vmem>> -> memref<1x64x128xf32, #tpu.memory_space<vmem>>
      %gather3A_486 = tpu.memref_squeeze %gather3A_485 : memref<1x64x128xf32, #tpu.memory_space<vmem>> -> memref<64x128xf32, #tpu.memory_space<vmem>>
      %gather3A_487 = tpu.vector_load_idx %gather3A_486[%add3A_475, %get3A_479] : memref<64x128xf32, #tpu.memory_space<vmem>>[vector<16xi32>, vector<16xi32>], vector<16xf32>,
      %gather3A_488 = arith.constant 0 : i32
      %gather3A_489 = arith.constant 0 : i32
      %gather3A_490 = tpu.memref_slice %arg13[%scan3A_193, %gather3A_488, %gather3A_489] : memref<2x64x128xf32, #tpu.memory_space<vmem>> -> memref<1x64x128xf32, #tpu.memory_space<vmem>>
      %gather3A_491 = tpu.memref_squeeze %gather3A_490 : memref<1x64x128xf32, #tpu.memory_space<vmem>> -> memref<64x128xf32, #tpu.memory_space<vmem>>
      %gather3A_492 = tpu.vector_load_idx %gather3A_491[%add3A_475, %get3A_483] : memref<64x128xf32, #tpu.memory_space<vmem>>[vector<16xi32>, vector<16xi32>], vector<16xf32>,
      %add3A_493 = arith.addf %gather3A_487, %gather3A_492 : vector<16xf32>
      %add3A_494 = arith.addf %add3A_493, %get3A_6 : vector<16xf32>
      %mul3A_495 = arith.constant 16 : i32
      %mul3A_496 = arith.muli %add3A_471, %mul3A_495 : i32
      %swap3A = arith.index_cast %mul3A_496 : i32 to index
      %swap3A_497 = tpu.vector_load %arg14[%swap3A] {strides = array<i32>} : memref<512xf32, #tpu.memory_space<vmem>>, vector<16xf32>,
      tpu.vector_store %arg14[%swap3A], %add3A_494 {strides = array<i32>} : memref<512xf32, #tpu.memory_space<vmem>>, vector<16xf32>,
    }
    %scan3A_198 = arith.constant 4 : i32
    %dma_start3A_199 = arith.constant 0 : i32
    %dma_start3A_200 = arith.constant 0 : i32
    %dma_start3A_201 = arith.constant 0 : i32
    %dma_start3A_202 = tpu.memref_slice %arg12[%dma_start3A_199, %dma_start3A_200, %dma_start3A_201] : memref<2x64x128xf32, #tpu.memory_space<vmem>> -> memref<1x64x128xf32, #tpu.memory_space<vmem>>
    %dma_start3A_203 = tpu.memref_squeeze %dma_start3A_202 : memref<1x64x128xf32, #tpu.memory_space<vmem>> -> memref<64x128xf32, #tpu.memory_space<vmem>>
    %dma_start3A_204 = arith.constant 256 : i32
    %dma_start3A_205 = tpu.memref_slice %arg8[%dma_start3A_204] : memref<512xi32, #tpu.memory_space<vmem>> -> memref<64xi32, #tpu.memory_space<vmem>>
    %dma_start3A_206 = arith.constant 0 : i32
    %dma_start3A_207 = arith.constant 0 : i32
    %dma_start3A_208 = tpu.memref_slice %arg4[%dma_start3A_206, %dma_start3A_207] : memref<7872x128xf32, #tpu.memory_space<hbm>> -> memref<7872x128xf32, #tpu.memory_space<hbm>>
    tpu.enqueue_indirect_dma source(%dma_start3A_208 : memref<7872x128xf32, #tpu.memory_space<hbm>>) target(%dma_start3A_203 : memref<64x128xf32, #tpu.memory_space<vmem>>) offsets(%dma_start3A_205 : memref<64xi32, #tpu.memory_space<vmem>>) semaphore(%arg16 : memref<!tpu.dma_semaphore, #tpu.memory_space<semaphore_mem>>)
    %dma_start3A_209 = arith.constant 0 : i32
    %dma_start3A_210 = arith.constant 0 : i32
    %dma_start3A_211 = arith.constant 0 : i32
    %dma_start3A_212 = tpu.memref_slice %arg13[%dma_start3A_209, %dma_start3A_210, %dma_start3A_211] : memref<2x64x128xf32, #tpu.memory_space<vmem>> -> memref<1x64x128xf32, #tpu.memory_space<vmem>>
    %dma_start3A_213 = tpu.memref_squeeze %dma_start3A_212 : memref<1x64x128xf32, #tpu.memory_space<vmem>> -> memref<64x128xf32, #tpu.memory_space<vmem>>
    %dma_start3A_214 = arith.constant 256 : i32
    %dma_start3A_215 = tpu.memref_slice %arg10[%dma_start3A_214] : memref<512xi32, #tpu.memory_space<vmem>> -> memref<64xi32, #tpu.memory_space<vmem>>
    %dma_start3A_216 = arith.constant 0 : i32
    %dma_start3A_217 = arith.constant 0 : i32
    %dma_start3A_218 = tpu.memref_slice %arg5[%dma_start3A_216, %dma_start3A_217] : memref<7872x128xf32, #tpu.memory_space<hbm>> -> memref<7872x128xf32, #tpu.memory_space<hbm>>
    tpu.enqueue_indirect_dma source(%dma_start3A_218 : memref<7872x128xf32, #tpu.memory_space<hbm>>) target(%dma_start3A_213 : memref<64x128xf32, #tpu.memory_space<vmem>>) offsets(%dma_start3A_215 : memref<64xi32, #tpu.memory_space<vmem>>) semaphore(%arg18 : memref<!tpu.dma_semaphore, #tpu.memory_space<semaphore_mem>>)
    %dma_wait3A_219 = arith.constant 1 : i32
    %dma_wait3A_220 = arith.constant 0 : i32
    %dma_wait3A_221 = arith.constant 0 : i32
    %dma_wait3A_222 = tpu.memref_slice %arg12[%dma_wait3A_219, %dma_wait3A_220, %dma_wait3A_221] : memref<2x64x128xf32, #tpu.memory_space<vmem>> -> memref<1x64x128xf32, #tpu.memory_space<vmem>>
    %dma_wait3A_223 = tpu.memref_squeeze %dma_wait3A_222 : memref<1x64x128xf32, #tpu.memory_space<vmem>> -> memref<64x128xf32, #tpu.memory_space<vmem>>
    %dma_wait3A_224 = arith.constant 0 : i32
    %dma_wait3A_225 = arith.constant 0 : i32
    %dma_wait3A_226 = tpu.memref_slice %arg4[%dma_wait3A_224, %dma_wait3A_225] : memref<7872x128xf32, #tpu.memory_space<hbm>> -> memref<64x128xf32, #tpu.memory_space<hbm>>
    %dma_wait3A_227 = arith.constant 0 : i32
    %dma_wait3A_228 = arith.constant 0 : i32
    %dma_wait3A_229 = tpu.memref_slice %arg12[%dma_wait3A_219, %dma_wait3A_227, %dma_wait3A_228] : memref<2x64x128xf32, #tpu.memory_space<vmem>> -> memref<1x64x128xf32, #tpu.memory_space<vmem>>
    %dma_wait3A_230 = tpu.memref_squeeze %dma_wait3A_229 : memref<1x64x128xf32, #tpu.memory_space<vmem>> -> memref<64x128xf32, #tpu.memory_space<vmem>>
    %dma_wait3A_231 = arith.constant 0 : i32
    %dma_wait3A_232 = arith.constant 0 : i32
    %dma_wait3A_233 = tpu.memref_slice %arg4[%dma_wait3A_231, %dma_wait3A_232] : memref<7872x128xf32, #tpu.memory_space<hbm>> -> memref<64x128xf32, #tpu.memory_space<hbm>>
    tpu.wait_dma2 semaphore(%arg17 : memref<!tpu.dma_semaphore, #tpu.memory_space<semaphore_mem>>) src(%dma_wait3A_233 : memref<64x128xf32, #tpu.memory_space<hbm>>) dst(%dma_wait3A_230 : memref<64x128xf32, #tpu.memory_space<vmem>>)
    %dma_wait3A_234 = arith.constant 1 : i32
    %dma_wait3A_235 = arith.constant 0 : i32
    %dma_wait3A_236 = arith.constant 0 : i32
    %dma_wait3A_237 = tpu.memref_slice %arg13[%dma_wait3A_234, %dma_wait3A_235, %dma_wait3A_236] : memref<2x64x128xf32, #tpu.memory_space<vmem>> -> memref<1x64x128xf32, #tpu.memory_space<vmem>>
    %dma_wait3A_238 = tpu.memref_squeeze %dma_wait3A_237 : memref<1x64x128xf32, #tpu.memory_space<vmem>> -> memref<64x128xf32, #tpu.memory_space<vmem>>
    %dma_wait3A_239 = arith.constant 0 : i32
    %dma_wait3A_240 = arith.constant 0 : i32
    %dma_wait3A_241 = tpu.memref_slice %arg5[%dma_wait3A_239, %dma_wait3A_240] : memref<7872x128xf32, #tpu.memory_space<hbm>> -> memref<64x128xf32, #tpu.memory_space<hbm>>
    %dma_wait3A_242 = arith.constant 0 : i32
    %dma_wait3A_243 = arith.constant 0 : i32
    %dma_wait3A_244 = tpu.memref_slice %arg13[%dma_wait3A_234, %dma_wait3A_242, %dma_wait3A_243] : memref<2x64x128xf32, #tpu.memory_space<vmem>> -> memref<1x64x128xf32, #tpu.memory_space<vmem>>
    %dma_wait3A_245 = tpu.memref_squeeze %dma_wait3A_244 : memref<1x64x128xf32, #tpu.memory_space<vmem>> -> memref<64x128xf32, #tpu.memory_space<vmem>>
    %dma_wait3A_246 = arith.constant 0 : i32
    %dma_wait3A_247 = arith.constant 0 : i32
    %dma_wait3A_248 = tpu.memref_slice %arg5[%dma_wait3A_246, %dma_wait3A_247] : memref<7872x128xf32, #tpu.memory_space<hbm>> -> memref<64x128xf32, #tpu.memory_space<hbm>>
    tpu.wait_dma2 semaphore(%arg19 : memref<!tpu.dma_semaphore, #tpu.memory_space<semaphore_mem>>) src(%dma_wait3A_248 : memref<64x128xf32, #tpu.memory_space<hbm>>) dst(%dma_wait3A_245 : memref<64x128xf32, #tpu.memory_space<vmem>>)
    %scan3A_249 = arith.constant 0 : i32
    %scan3A_250 = arith.constant 1 : i32
    %scan3A_251 = arith.constant 1 : i32
    %scan3A_252 = arith.constant 0 : i32
    %scan3A_253 = arith.constant 4 : i32
    %scan3A_254 = arith.addi %scan3A_252, %scan3A_253 : i32
    %scan3A_255 = arith.constant 1 : i32
    scf.for %scan3A_469 = %scan3A_252 to %scan3A_254 step %scan3A_255  : i32 {
      %add3A_470 = arith.constant 12 : i32
      %add3A_471 = arith.addi %add3A_470, %scan3A_469 : i32
      %mul3A_472 = arith.constant 16 : i32
      %mul3A_473 = arith.muli %scan3A_469, %mul3A_472 : i32
      %add3A_474 = vector.broadcast %mul3A_473 : i32 to vector<16xi32>
      %add3A_475 = arith.addi %add3A_474, %iota3A : vector<16xi32>
      %mul3A_476 = arith.constant 16 : i32
      %mul3A_477 = arith.muli %add3A_471, %mul3A_476 : i32
      %get3A_478 = arith.index_cast %mul3A_477 : i32 to index
      %get3A_479 = tpu.vector_load %arg9[%get3A_478] {strides = array<i32>} : memref<512xi32, #tpu.memory_space<vmem>>, vector<16xi32>,
      %mul3A_480 = arith.constant 16 : i32
      %mul3A_481 = arith.muli %add3A_471, %mul3A_480 : i32
      %get3A_482 = arith.index_cast %mul3A_481 : i32 to index
      %get3A_483 = tpu.vector_load %arg11[%get3A_482] {strides = array<i32>} : memref<512xi32, #tpu.memory_space<vmem>>, vector<16xi32>,
      %gather3A = arith.constant 0 : i32
      %gather3A_484 = arith.constant 0 : i32
      %gather3A_485 = tpu.memref_slice %arg12[%scan3A_250, %gather3A, %gather3A_484] : memref<2x64x128xf32, #tpu.memory_space<vmem>> -> memref<1x64x128xf32, #tpu.memory_space<vmem>>
      %gather3A_486 = tpu.memref_squeeze %gather3A_485 : memref<1x64x128xf32, #tpu.memory_space<vmem>> -> memref<64x128xf32, #tpu.memory_space<vmem>>
      %gather3A_487 = tpu.vector_load_idx %gather3A_486[%add3A_475, %get3A_479] : memref<64x128xf32, #tpu.memory_space<vmem>>[vector<16xi32>, vector<16xi32>], vector<16xf32>,
      %gather3A_488 = arith.constant 0 : i32
      %gather3A_489 = arith.constant 0 : i32
      %gather3A_490 = tpu.memref_slice %arg13[%scan3A_251, %gather3A_488, %gather3A_489] : memref<2x64x128xf32, #tpu.memory_space<vmem>> -> memref<1x64x128xf32, #tpu.memory_space<vmem>>
      %gather3A_491 = tpu.memref_squeeze %gather3A_490 : memref<1x64x128xf32, #tpu.memory_space<vmem>> -> memref<64x128xf32, #tpu.memory_space<vmem>>
      %gather3A_492 = tpu.vector_load_idx %gather3A_491[%add3A_475, %get3A_483] : memref<64x128xf32, #tpu.memory_space<vmem>>[vector<16xi32>, vector<16xi32>], vector<16xf32>,
      %add3A_493 = arith.addf %gather3A_487, %gather3A_492 : vector<16xf32>
      %add3A_494 = arith.addf %add3A_493, %get3A_6 : vector<16xf32>
      %mul3A_495 = arith.constant 16 : i32
      %mul3A_496 = arith.muli %add3A_471, %mul3A_495 : i32
      %swap3A = arith.index_cast %mul3A_496 : i32 to index
      %swap3A_497 = tpu.vector_load %arg14[%swap3A] {strides = array<i32>} : memref<512xf32, #tpu.memory_space<vmem>>, vector<16xf32>,
      tpu.vector_store %arg14[%swap3A], %add3A_494 {strides = array<i32>} : memref<512xf32, #tpu.memory_space<vmem>>, vector<16xf32>,
    }
    %scan3A_256 = arith.constant 4 : i32
    %dma_start3A_257 = arith.constant 1 : i32
    %dma_start3A_258 = arith.constant 0 : i32
    %dma_start3A_259 = arith.constant 0 : i32
    %dma_start3A_260 = tpu.memref_slice %arg12[%dma_start3A_257, %dma_start3A_258, %dma_start3A_259] : memref<2x64x128xf32, #tpu.memory_space<vmem>> -> memref<1x64x128xf32, #tpu.memory_space<vmem>>
    %dma_start3A_261 = tpu.memref_squeeze %dma_start3A_260 : memref<1x64x128xf32, #tpu.memory_space<vmem>> -> memref<64x128xf32, #tpu.memory_space<vmem>>
    %dma_start3A_262 = arith.constant 320 : i32
    %dma_start3A_263 = tpu.memref_slice %arg8[%dma_start3A_262] : memref<512xi32, #tpu.memory_space<vmem>> -> memref<64xi32, #tpu.memory_space<vmem>>
    %dma_start3A_264 = arith.constant 0 : i32
    %dma_start3A_265 = arith.constant 0 : i32
    %dma_start3A_266 = tpu.memref_slice %arg4[%dma_start3A_264, %dma_start3A_265] : memref<7872x128xf32, #tpu.memory_space<hbm>> -> memref<7872x128xf32, #tpu.memory_space<hbm>>
    tpu.enqueue_indirect_dma source(%dma_start3A_266 : memref<7872x128xf32, #tpu.memory_space<hbm>>) target(%dma_start3A_261 : memref<64x128xf32, #tpu.memory_space<vmem>>) offsets(%dma_start3A_263 : memref<64xi32, #tpu.memory_space<vmem>>) semaphore(%arg17 : memref<!tpu.dma_semaphore, #tpu.memory_space<semaphore_mem>>)
    %dma_start3A_267 = arith.constant 1 : i32
    %dma_start3A_268 = arith.constant 0 : i32
    %dma_start3A_269 = arith.constant 0 : i32
    %dma_start3A_270 = tpu.memref_slice %arg13[%dma_start3A_267, %dma_start3A_268, %dma_start3A_269] : memref<2x64x128xf32, #tpu.memory_space<vmem>> -> memref<1x64x128xf32, #tpu.memory_space<vmem>>
    %dma_start3A_271 = tpu.memref_squeeze %dma_start3A_270 : memref<1x64x128xf32, #tpu.memory_space<vmem>> -> memref<64x128xf32, #tpu.memory_space<vmem>>
    %dma_start3A_272 = arith.constant 320 : i32
    %dma_start3A_273 = tpu.memref_slice %arg10[%dma_start3A_272] : memref<512xi32, #tpu.memory_space<vmem>> -> memref<64xi32, #tpu.memory_space<vmem>>
    %dma_start3A_274 = arith.constant 0 : i32
    %dma_start3A_275 = arith.constant 0 : i32
    %dma_start3A_276 = tpu.memref_slice %arg5[%dma_start3A_274, %dma_start3A_275] : memref<7872x128xf32, #tpu.memory_space<hbm>> -> memref<7872x128xf32, #tpu.memory_space<hbm>>
    tpu.enqueue_indirect_dma source(%dma_start3A_276 : memref<7872x128xf32, #tpu.memory_space<hbm>>) target(%dma_start3A_271 : memref<64x128xf32, #tpu.memory_space<vmem>>) offsets(%dma_start3A_273 : memref<64xi32, #tpu.memory_space<vmem>>) semaphore(%arg19 : memref<!tpu.dma_semaphore, #tpu.memory_space<semaphore_mem>>)
    %dma_wait3A_277 = arith.constant 0 : i32
    %dma_wait3A_278 = arith.constant 0 : i32
    %dma_wait3A_279 = arith.constant 0 : i32
    %dma_wait3A_280 = tpu.memref_slice %arg12[%dma_wait3A_277, %dma_wait3A_278, %dma_wait3A_279] : memref<2x64x128xf32, #tpu.memory_space<vmem>> -> memref<1x64x128xf32, #tpu.memory_space<vmem>>
    %dma_wait3A_281 = tpu.memref_squeeze %dma_wait3A_280 : memref<1x64x128xf32, #tpu.memory_space<vmem>> -> memref<64x128xf32, #tpu.memory_space<vmem>>
    %dma_wait3A_282 = arith.constant 0 : i32
    %dma_wait3A_283 = arith.constant 0 : i32
    %dma_wait3A_284 = tpu.memref_slice %arg4[%dma_wait3A_282, %dma_wait3A_283] : memref<7872x128xf32, #tpu.memory_space<hbm>> -> memref<64x128xf32, #tpu.memory_space<hbm>>
    %dma_wait3A_285 = arith.constant 0 : i32
    %dma_wait3A_286 = arith.constant 0 : i32
    %dma_wait3A_287 = tpu.memref_slice %arg12[%dma_wait3A_277, %dma_wait3A_285, %dma_wait3A_286] : memref<2x64x128xf32, #tpu.memory_space<vmem>> -> memref<1x64x128xf32, #tpu.memory_space<vmem>>
    %dma_wait3A_288 = tpu.memref_squeeze %dma_wait3A_287 : memref<1x64x128xf32, #tpu.memory_space<vmem>> -> memref<64x128xf32, #tpu.memory_space<vmem>>
    %dma_wait3A_289 = arith.constant 0 : i32
    %dma_wait3A_290 = arith.constant 0 : i32
    %dma_wait3A_291 = tpu.memref_slice %arg4[%dma_wait3A_289, %dma_wait3A_290] : memref<7872x128xf32, #tpu.memory_space<hbm>> -> memref<64x128xf32, #tpu.memory_space<hbm>>
    tpu.wait_dma2 semaphore(%arg16 : memref<!tpu.dma_semaphore, #tpu.memory_space<semaphore_mem>>) src(%dma_wait3A_291 : memref<64x128xf32, #tpu.memory_space<hbm>>) dst(%dma_wait3A_288 : memref<64x128xf32, #tpu.memory_space<vmem>>)
    %dma_wait3A_292 = arith.constant 0 : i32
    %dma_wait3A_293 = arith.constant 0 : i32
    %dma_wait3A_294 = arith.constant 0 : i32
    %dma_wait3A_295 = tpu.memref_slice %arg13[%dma_wait3A_292, %dma_wait3A_293, %dma_wait3A_294] : memref<2x64x128xf32, #tpu.memory_space<vmem>> -> memref<1x64x128xf32, #tpu.memory_space<vmem>>
    %dma_wait3A_296 = tpu.memref_squeeze %dma_wait3A_295 : memref<1x64x128xf32, #tpu.memory_space<vmem>> -> memref<64x128xf32, #tpu.memory_space<vmem>>
    %dma_wait3A_297 = arith.constant 0 : i32
    %dma_wait3A_298 = arith.constant 0 : i32
    %dma_wait3A_299 = tpu.memref_slice %arg5[%dma_wait3A_297, %dma_wait3A_298] : memref<7872x128xf32, #tpu.memory_space<hbm>> -> memref<64x128xf32, #tpu.memory_space<hbm>>
    %dma_wait3A_300 = arith.constant 0 : i32
    %dma_wait3A_301 = arith.constant 0 : i32
    %dma_wait3A_302 = tpu.memref_slice %arg13[%dma_wait3A_292, %dma_wait3A_300, %dma_wait3A_301] : memref<2x64x128xf32, #tpu.memory_space<vmem>> -> memref<1x64x128xf32, #tpu.memory_space<vmem>>
    %dma_wait3A_303 = tpu.memref_squeeze %dma_wait3A_302 : memref<1x64x128xf32, #tpu.memory_space<vmem>> -> memref<64x128xf32, #tpu.memory_space<vmem>>
    %dma_wait3A_304 = arith.constant 0 : i32
    %dma_wait3A_305 = arith.constant 0 : i32
    %dma_wait3A_306 = tpu.memref_slice %arg5[%dma_wait3A_304, %dma_wait3A_305] : memref<7872x128xf32, #tpu.memory_space<hbm>> -> memref<64x128xf32, #tpu.memory_space<hbm>>
    tpu.wait_dma2 semaphore(%arg18 : memref<!tpu.dma_semaphore, #tpu.memory_space<semaphore_mem>>) src(%dma_wait3A_306 : memref<64x128xf32, #tpu.memory_space<hbm>>) dst(%dma_wait3A_303 : memref<64x128xf32, #tpu.memory_space<vmem>>)
    %scan3A_307 = arith.constant 0 : i32
    %scan3A_308 = arith.constant 0 : i32
    %scan3A_309 = arith.constant 0 : i32
    %scan3A_310 = arith.constant 0 : i32
    %scan3A_311 = arith.constant 4 : i32
    %scan3A_312 = arith.addi %scan3A_310, %scan3A_311 : i32
    %scan3A_313 = arith.constant 1 : i32
    scf.for %scan3A_469 = %scan3A_310 to %scan3A_312 step %scan3A_313  : i32 {
      %add3A_470 = arith.constant 16 : i32
      %add3A_471 = arith.addi %add3A_470, %scan3A_469 : i32
      %mul3A_472 = arith.constant 16 : i32
      %mul3A_473 = arith.muli %scan3A_469, %mul3A_472 : i32
      %add3A_474 = vector.broadcast %mul3A_473 : i32 to vector<16xi32>
      %add3A_475 = arith.addi %add3A_474, %iota3A : vector<16xi32>
      %mul3A_476 = arith.constant 16 : i32
      %mul3A_477 = arith.muli %add3A_471, %mul3A_476 : i32
      %get3A_478 = arith.index_cast %mul3A_477 : i32 to index
      %get3A_479 = tpu.vector_load %arg9[%get3A_478] {strides = array<i32>} : memref<512xi32, #tpu.memory_space<vmem>>, vector<16xi32>,
      %mul3A_480 = arith.constant 16 : i32
      %mul3A_481 = arith.muli %add3A_471, %mul3A_480 : i32
      %get3A_482 = arith.index_cast %mul3A_481 : i32 to index
      %get3A_483 = tpu.vector_load %arg11[%get3A_482] {strides = array<i32>} : memref<512xi32, #tpu.memory_space<vmem>>, vector<16xi32>,
      %gather3A = arith.constant 0 : i32
      %gather3A_484 = arith.constant 0 : i32
      %gather3A_485 = tpu.memref_slice %arg12[%scan3A_308, %gather3A, %gather3A_484] : memref<2x64x128xf32, #tpu.memory_space<vmem>> -> memref<1x64x128xf32, #tpu.memory_space<vmem>>
      %gather3A_486 = tpu.memref_squeeze %gather3A_485 : memref<1x64x128xf32, #tpu.memory_space<vmem>> -> memref<64x128xf32, #tpu.memory_space<vmem>>
      %gather3A_487 = tpu.vector_load_idx %gather3A_486[%add3A_475, %get3A_479] : memref<64x128xf32, #tpu.memory_space<vmem>>[vector<16xi32>, vector<16xi32>], vector<16xf32>,
      %gather3A_488 = arith.constant 0 : i32
      %gather3A_489 = arith.constant 0 : i32
      %gather3A_490 = tpu.memref_slice %arg13[%scan3A_309, %gather3A_488, %gather3A_489] : memref<2x64x128xf32, #tpu.memory_space<vmem>> -> memref<1x64x128xf32, #tpu.memory_space<vmem>>
      %gather3A_491 = tpu.memref_squeeze %gather3A_490 : memref<1x64x128xf32, #tpu.memory_space<vmem>> -> memref<64x128xf32, #tpu.memory_space<vmem>>
      %gather3A_492 = tpu.vector_load_idx %gather3A_491[%add3A_475, %get3A_483] : memref<64x128xf32, #tpu.memory_space<vmem>>[vector<16xi32>, vector<16xi32>], vector<16xf32>,
      %add3A_493 = arith.addf %gather3A_487, %gather3A_492 : vector<16xf32>
      %add3A_494 = arith.addf %add3A_493, %get3A_6 : vector<16xf32>
      %mul3A_495 = arith.constant 16 : i32
      %mul3A_496 = arith.muli %add3A_471, %mul3A_495 : i32
      %swap3A = arith.index_cast %mul3A_496 : i32 to index
      %swap3A_497 = tpu.vector_load %arg14[%swap3A] {strides = array<i32>} : memref<512xf32, #tpu.memory_space<vmem>>, vector<16xf32>,
      tpu.vector_store %arg14[%swap3A], %add3A_494 {strides = array<i32>} : memref<512xf32, #tpu.memory_space<vmem>>, vector<16xf32>,
    }
    %scan3A_314 = arith.constant 4 : i32
    %dma_start3A_315 = arith.constant 0 : i32
    %dma_start3A_316 = arith.constant 0 : i32
    %dma_start3A_317 = arith.constant 0 : i32
    %dma_start3A_318 = tpu.memref_slice %arg12[%dma_start3A_315, %dma_start3A_316, %dma_start3A_317] : memref<2x64x128xf32, #tpu.memory_space<vmem>> -> memref<1x64x128xf32, #tpu.memory_space<vmem>>
    %dma_start3A_319 = tpu.memref_squeeze %dma_start3A_318 : memref<1x64x128xf32, #tpu.memory_space<vmem>> -> memref<64x128xf32, #tpu.memory_space<vmem>>
    %dma_start3A_320 = arith.constant 384 : i32
    %dma_start3A_321 = tpu.memref_slice %arg8[%dma_start3A_320] : memref<512xi32, #tpu.memory_space<vmem>> -> memref<64xi32, #tpu.memory_space<vmem>>
    %dma_start3A_322 = arith.constant 0 : i32
    %dma_start3A_323 = arith.constant 0 : i32
    %dma_start3A_324 = tpu.memref_slice %arg4[%dma_start3A_322, %dma_start3A_323] : memref<7872x128xf32, #tpu.memory_space<hbm>> -> memref<7872x128xf32, #tpu.memory_space<hbm>>
    tpu.enqueue_indirect_dma source(%dma_start3A_324 : memref<7872x128xf32, #tpu.memory_space<hbm>>) target(%dma_start3A_319 : memref<64x128xf32, #tpu.memory_space<vmem>>) offsets(%dma_start3A_321 : memref<64xi32, #tpu.memory_space<vmem>>) semaphore(%arg16 : memref<!tpu.dma_semaphore, #tpu.memory_space<semaphore_mem>>)
    %dma_start3A_325 = arith.constant 0 : i32
    %dma_start3A_326 = arith.constant 0 : i32
    %dma_start3A_327 = arith.constant 0 : i32
    %dma_start3A_328 = tpu.memref_slice %arg13[%dma_start3A_325, %dma_start3A_326, %dma_start3A_327] : memref<2x64x128xf32, #tpu.memory_space<vmem>> -> memref<1x64x128xf32, #tpu.memory_space<vmem>>
    %dma_start3A_329 = tpu.memref_squeeze %dma_start3A_328 : memref<1x64x128xf32, #tpu.memory_space<vmem>> -> memref<64x128xf32, #tpu.memory_space<vmem>>
    %dma_start3A_330 = arith.constant 384 : i32
    %dma_start3A_331 = tpu.memref_slice %arg10[%dma_start3A_330] : memref<512xi32, #tpu.memory_space<vmem>> -> memref<64xi32, #tpu.memory_space<vmem>>
    %dma_start3A_332 = arith.constant 0 : i32
    %dma_start3A_333 = arith.constant 0 : i32
    %dma_start3A_334 = tpu.memref_slice %arg5[%dma_start3A_332, %dma_start3A_333] : memref<7872x128xf32, #tpu.memory_space<hbm>> -> memref<7872x128xf32, #tpu.memory_space<hbm>>
    tpu.enqueue_indirect_dma source(%dma_start3A_334 : memref<7872x128xf32, #tpu.memory_space<hbm>>) target(%dma_start3A_329 : memref<64x128xf32, #tpu.memory_space<vmem>>) offsets(%dma_start3A_331 : memref<64xi32, #tpu.memory_space<vmem>>) semaphore(%arg18 : memref<!tpu.dma_semaphore, #tpu.memory_space<semaphore_mem>>)
    %dma_wait3A_335 = arith.constant 1 : i32
    %dma_wait3A_336 = arith.constant 0 : i32
    %dma_wait3A_337 = arith.constant 0 : i32
    %dma_wait3A_338 = tpu.memref_slice %arg12[%dma_wait3A_335, %dma_wait3A_336, %dma_wait3A_337] : memref<2x64x128xf32, #tpu.memory_space<vmem>> -> memref<1x64x128xf32, #tpu.memory_space<vmem>>
    %dma_wait3A_339 = tpu.memref_squeeze %dma_wait3A_338 : memref<1x64x128xf32, #tpu.memory_space<vmem>> -> memref<64x128xf32, #tpu.memory_space<vmem>>
    %dma_wait3A_340 = arith.constant 0 : i32
    %dma_wait3A_341 = arith.constant 0 : i32
    %dma_wait3A_342 = tpu.memref_slice %arg4[%dma_wait3A_340, %dma_wait3A_341] : memref<7872x128xf32, #tpu.memory_space<hbm>> -> memref<64x128xf32, #tpu.memory_space<hbm>>
    %dma_wait3A_343 = arith.constant 0 : i32
    %dma_wait3A_344 = arith.constant 0 : i32
    %dma_wait3A_345 = tpu.memref_slice %arg12[%dma_wait3A_335, %dma_wait3A_343, %dma_wait3A_344] : memref<2x64x128xf32, #tpu.memory_space<vmem>> -> memref<1x64x128xf32, #tpu.memory_space<vmem>>
    %dma_wait3A_346 = tpu.memref_squeeze %dma_wait3A_345 : memref<1x64x128xf32, #tpu.memory_space<vmem>> -> memref<64x128xf32, #tpu.memory_space<vmem>>
    %dma_wait3A_347 = arith.constant 0 : i32
    %dma_wait3A_348 = arith.constant 0 : i32
    %dma_wait3A_349 = tpu.memref_slice %arg4[%dma_wait3A_347, %dma_wait3A_348] : memref<7872x128xf32, #tpu.memory_space<hbm>> -> memref<64x128xf32, #tpu.memory_space<hbm>>
    tpu.wait_dma2 semaphore(%arg17 : memref<!tpu.dma_semaphore, #tpu.memory_space<semaphore_mem>>) src(%dma_wait3A_349 : memref<64x128xf32, #tpu.memory_space<hbm>>) dst(%dma_wait3A_346 : memref<64x128xf32, #tpu.memory_space<vmem>>)
    %dma_wait3A_350 = arith.constant 1 : i32
    %dma_wait3A_351 = arith.constant 0 : i32
    %dma_wait3A_352 = arith.constant 0 : i32
    %dma_wait3A_353 = tpu.memref_slice %arg13[%dma_wait3A_350, %dma_wait3A_351, %dma_wait3A_352] : memref<2x64x128xf32, #tpu.memory_space<vmem>> -> memref<1x64x128xf32, #tpu.memory_space<vmem>>
    %dma_wait3A_354 = tpu.memref_squeeze %dma_wait3A_353 : memref<1x64x128xf32, #tpu.memory_space<vmem>> -> memref<64x128xf32, #tpu.memory_space<vmem>>
    %dma_wait3A_355 = arith.constant 0 : i32
    %dma_wait3A_356 = arith.constant 0 : i32
    %dma_wait3A_357 = tpu.memref_slice %arg5[%dma_wait3A_355, %dma_wait3A_356] : memref<7872x128xf32, #tpu.memory_space<hbm>> -> memref<64x128xf32, #tpu.memory_space<hbm>>
    %dma_wait3A_358 = arith.constant 0 : i32
    %dma_wait3A_359 = arith.constant 0 : i32
    %dma_wait3A_360 = tpu.memref_slice %arg13[%dma_wait3A_350, %dma_wait3A_358, %dma_wait3A_359] : memref<2x64x128xf32, #tpu.memory_space<vmem>> -> memref<1x64x128xf32, #tpu.memory_space<vmem>>
    %dma_wait3A_361 = tpu.memref_squeeze %dma_wait3A_360 : memref<1x64x128xf32, #tpu.memory_space<vmem>> -> memref<64x128xf32, #tpu.memory_space<vmem>>
    %dma_wait3A_362 = arith.constant 0 : i32
    %dma_wait3A_363 = arith.constant 0 : i32
    %dma_wait3A_364 = tpu.memref_slice %arg5[%dma_wait3A_362, %dma_wait3A_363] : memref<7872x128xf32, #tpu.memory_space<hbm>> -> memref<64x128xf32, #tpu.memory_space<hbm>>
    tpu.wait_dma2 semaphore(%arg19 : memref<!tpu.dma_semaphore, #tpu.memory_space<semaphore_mem>>) src(%dma_wait3A_364 : memref<64x128xf32, #tpu.memory_space<hbm>>) dst(%dma_wait3A_361 : memref<64x128xf32, #tpu.memory_space<vmem>>)
    %scan3A_365 = arith.constant 0 : i32
    %scan3A_366 = arith.constant 1 : i32
    %scan3A_367 = arith.constant 1 : i32
    %scan3A_368 = arith.constant 0 : i32
    %scan3A_369 = arith.constant 4 : i32
    %scan3A_370 = arith.addi %scan3A_368, %scan3A_369 : i32
    %scan3A_371 = arith.constant 1 : i32
    scf.for %scan3A_469 = %scan3A_368 to %scan3A_370 step %scan3A_371  : i32 {
      %add3A_470 = arith.constant 20 : i32
      %add3A_471 = arith.addi %add3A_470, %scan3A_469 : i32
      %mul3A_472 = arith.constant 16 : i32
      %mul3A_473 = arith.muli %scan3A_469, %mul3A_472 : i32
      %add3A_474 = vector.broadcast %mul3A_473 : i32 to vector<16xi32>
      %add3A_475 = arith.addi %add3A_474, %iota3A : vector<16xi32>
      %mul3A_476 = arith.constant 16 : i32
      %mul3A_477 = arith.muli %add3A_471, %mul3A_476 : i32
      %get3A_478 = arith.index_cast %mul3A_477 : i32 to index
      %get3A_479 = tpu.vector_load %arg9[%get3A_478] {strides = array<i32>} : memref<512xi32, #tpu.memory_space<vmem>>, vector<16xi32>,
      %mul3A_480 = arith.constant 16 : i32
      %mul3A_481 = arith.muli %add3A_471, %mul3A_480 : i32
      %get3A_482 = arith.index_cast %mul3A_481 : i32 to index
      %get3A_483 = tpu.vector_load %arg11[%get3A_482] {strides = array<i32>} : memref<512xi32, #tpu.memory_space<vmem>>, vector<16xi32>,
      %gather3A = arith.constant 0 : i32
      %gather3A_484 = arith.constant 0 : i32
      %gather3A_485 = tpu.memref_slice %arg12[%scan3A_366, %gather3A, %gather3A_484] : memref<2x64x128xf32, #tpu.memory_space<vmem>> -> memref<1x64x128xf32, #tpu.memory_space<vmem>>
      %gather3A_486 = tpu.memref_squeeze %gather3A_485 : memref<1x64x128xf32, #tpu.memory_space<vmem>> -> memref<64x128xf32, #tpu.memory_space<vmem>>
      %gather3A_487 = tpu.vector_load_idx %gather3A_486[%add3A_475, %get3A_479] : memref<64x128xf32, #tpu.memory_space<vmem>>[vector<16xi32>, vector<16xi32>], vector<16xf32>,
      %gather3A_488 = arith.constant 0 : i32
      %gather3A_489 = arith.constant 0 : i32
      %gather3A_490 = tpu.memref_slice %arg13[%scan3A_367, %gather3A_488, %gather3A_489] : memref<2x64x128xf32, #tpu.memory_space<vmem>> -> memref<1x64x128xf32, #tpu.memory_space<vmem>>
      %gather3A_491 = tpu.memref_squeeze %gather3A_490 : memref<1x64x128xf32, #tpu.memory_space<vmem>> -> memref<64x128xf32, #tpu.memory_space<vmem>>
      %gather3A_492 = tpu.vector_load_idx %gather3A_491[%add3A_475, %get3A_483] : memref<64x128xf32, #tpu.memory_space<vmem>>[vector<16xi32>, vector<16xi32>], vector<16xf32>,
      %add3A_493 = arith.addf %gather3A_487, %gather3A_492 : vector<16xf32>
      %add3A_494 = arith.addf %add3A_493, %get3A_6 : vector<16xf32>
      %mul3A_495 = arith.constant 16 : i32
      %mul3A_496 = arith.muli %add3A_471, %mul3A_495 : i32
      %swap3A = arith.index_cast %mul3A_496 : i32 to index
      %swap3A_497 = tpu.vector_load %arg14[%swap3A] {strides = array<i32>} : memref<512xf32, #tpu.memory_space<vmem>>, vector<16xf32>,
      tpu.vector_store %arg14[%swap3A], %add3A_494 {strides = array<i32>} : memref<512xf32, #tpu.memory_space<vmem>>, vector<16xf32>,
    }
    %scan3A_372 = arith.constant 4 : i32
    %dma_start3A_373 = arith.constant 1 : i32
    %dma_start3A_374 = arith.constant 0 : i32
    %dma_start3A_375 = arith.constant 0 : i32
    %dma_start3A_376 = tpu.memref_slice %arg12[%dma_start3A_373, %dma_start3A_374, %dma_start3A_375] : memref<2x64x128xf32, #tpu.memory_space<vmem>> -> memref<1x64x128xf32, #tpu.memory_space<vmem>>
    %dma_start3A_377 = tpu.memref_squeeze %dma_start3A_376 : memref<1x64x128xf32, #tpu.memory_space<vmem>> -> memref<64x128xf32, #tpu.memory_space<vmem>>
    %dma_start3A_378 = arith.constant 448 : i32
    %dma_start3A_379 = tpu.memref_slice %arg8[%dma_start3A_378] : memref<512xi32, #tpu.memory_space<vmem>> -> memref<64xi32, #tpu.memory_space<vmem>>
    %dma_start3A_380 = arith.constant 0 : i32
    %dma_start3A_381 = arith.constant 0 : i32
    %dma_start3A_382 = tpu.memref_slice %arg4[%dma_start3A_380, %dma_start3A_381] : memref<7872x128xf32, #tpu.memory_space<hbm>> -> memref<7872x128xf32, #tpu.memory_space<hbm>>
    tpu.enqueue_indirect_dma source(%dma_start3A_382 : memref<7872x128xf32, #tpu.memory_space<hbm>>) target(%dma_start3A_377 : memref<64x128xf32, #tpu.memory_space<vmem>>) offsets(%dma_start3A_379 : memref<64xi32, #tpu.memory_space<vmem>>) semaphore(%arg17 : memref<!tpu.dma_semaphore, #tpu.memory_space<semaphore_mem>>)
    %dma_start3A_383 = arith.constant 1 : i32
    %dma_start3A_384 = arith.constant 0 : i32
    %dma_start3A_385 = arith.constant 0 : i32
    %dma_start3A_386 = tpu.memref_slice %arg13[%dma_start3A_383, %dma_start3A_384, %dma_start3A_385] : memref<2x64x128xf32, #tpu.memory_space<vmem>> -> memref<1x64x128xf32, #tpu.memory_space<vmem>>
    %dma_start3A_387 = tpu.memref_squeeze %dma_start3A_386 : memref<1x64x128xf32, #tpu.memory_space<vmem>> -> memref<64x128xf32, #tpu.memory_space<vmem>>
    %dma_start3A_388 = arith.constant 448 : i32
    %dma_start3A_389 = tpu.memref_slice %arg10[%dma_start3A_388] : memref<512xi32, #tpu.memory_space<vmem>> -> memref<64xi32, #tpu.memory_space<vmem>>
    %dma_start3A_390 = arith.constant 0 : i32
    %dma_start3A_391 = arith.constant 0 : i32
    %dma_start3A_392 = tpu.memref_slice %arg5[%dma_start3A_390, %dma_start3A_391] : memref<7872x128xf32, #tpu.memory_space<hbm>> -> memref<7872x128xf32, #tpu.memory_space<hbm>>
    tpu.enqueue_indirect_dma source(%dma_start3A_392 : memref<7872x128xf32, #tpu.memory_space<hbm>>) target(%dma_start3A_387 : memref<64x128xf32, #tpu.memory_space<vmem>>) offsets(%dma_start3A_389 : memref<64xi32, #tpu.memory_space<vmem>>) semaphore(%arg19 : memref<!tpu.dma_semaphore, #tpu.memory_space<semaphore_mem>>)
    %dma_wait3A_393 = arith.constant 0 : i32
    %dma_wait3A_394 = arith.constant 0 : i32
    %dma_wait3A_395 = arith.constant 0 : i32
    %dma_wait3A_396 = tpu.memref_slice %arg12[%dma_wait3A_393, %dma_wait3A_394, %dma_wait3A_395] : memref<2x64x128xf32, #tpu.memory_space<vmem>> -> memref<1x64x128xf32, #tpu.memory_space<vmem>>
    %dma_wait3A_397 = tpu.memref_squeeze %dma_wait3A_396 : memref<1x64x128xf32, #tpu.memory_space<vmem>> -> memref<64x128xf32, #tpu.memory_space<vmem>>
    %dma_wait3A_398 = arith.constant 0 : i32
    %dma_wait3A_399 = arith.constant 0 : i32
    %dma_wait3A_400 = tpu.memref_slice %arg4[%dma_wait3A_398, %dma_wait3A_399] : memref<7872x128xf32, #tpu.memory_space<hbm>> -> memref<64x128xf32, #tpu.memory_space<hbm>>
    %dma_wait3A_401 = arith.constant 0 : i32
    %dma_wait3A_402 = arith.constant 0 : i32
    %dma_wait3A_403 = tpu.memref_slice %arg12[%dma_wait3A_393, %dma_wait3A_401, %dma_wait3A_402] : memref<2x64x128xf32, #tpu.memory_space<vmem>> -> memref<1x64x128xf32, #tpu.memory_space<vmem>>
    %dma_wait3A_404 = tpu.memref_squeeze %dma_wait3A_403 : memref<1x64x128xf32, #tpu.memory_space<vmem>> -> memref<64x128xf32, #tpu.memory_space<vmem>>
    %dma_wait3A_405 = arith.constant 0 : i32
    %dma_wait3A_406 = arith.constant 0 : i32
    %dma_wait3A_407 = tpu.memref_slice %arg4[%dma_wait3A_405, %dma_wait3A_406] : memref<7872x128xf32, #tpu.memory_space<hbm>> -> memref<64x128xf32, #tpu.memory_space<hbm>>
    tpu.wait_dma2 semaphore(%arg16 : memref<!tpu.dma_semaphore, #tpu.memory_space<semaphore_mem>>) src(%dma_wait3A_407 : memref<64x128xf32, #tpu.memory_space<hbm>>) dst(%dma_wait3A_404 : memref<64x128xf32, #tpu.memory_space<vmem>>)
    %dma_wait3A_408 = arith.constant 0 : i32
    %dma_wait3A_409 = arith.constant 0 : i32
    %dma_wait3A_410 = arith.constant 0 : i32
    %dma_wait3A_411 = tpu.memref_slice %arg13[%dma_wait3A_408, %dma_wait3A_409, %dma_wait3A_410] : memref<2x64x128xf32, #tpu.memory_space<vmem>> -> memref<1x64x128xf32, #tpu.memory_space<vmem>>
    %dma_wait3A_412 = tpu.memref_squeeze %dma_wait3A_411 : memref<1x64x128xf32, #tpu.memory_space<vmem>> -> memref<64x128xf32, #tpu.memory_space<vmem>>
    %dma_wait3A_413 = arith.constant 0 : i32
    %dma_wait3A_414 = arith.constant 0 : i32
    %dma_wait3A_415 = tpu.memref_slice %arg5[%dma_wait3A_413, %dma_wait3A_414] : memref<7872x128xf32, #tpu.memory_space<hbm>> -> memref<64x128xf32, #tpu.memory_space<hbm>>
    %dma_wait3A_416 = arith.constant 0 : i32
    %dma_wait3A_417 = arith.constant 0 : i32
    %dma_wait3A_418 = tpu.memref_slice %arg13[%dma_wait3A_408, %dma_wait3A_416, %dma_wait3A_417] : memref<2x64x128xf32, #tpu.memory_space<vmem>> -> memref<1x64x128xf32, #tpu.memory_space<vmem>>
    %dma_wait3A_419 = tpu.memref_squeeze %dma_wait3A_418 : memref<1x64x128xf32, #tpu.memory_space<vmem>> -> memref<64x128xf32, #tpu.memory_space<vmem>>
    %dma_wait3A_420 = arith.constant 0 : i32
    %dma_wait3A_421 = arith.constant 0 : i32
    %dma_wait3A_422 = tpu.memref_slice %arg5[%dma_wait3A_420, %dma_wait3A_421] : memref<7872x128xf32, #tpu.memory_space<hbm>> -> memref<64x128xf32, #tpu.memory_space<hbm>>
    tpu.wait_dma2 semaphore(%arg18 : memref<!tpu.dma_semaphore, #tpu.memory_space<semaphore_mem>>) src(%dma_wait3A_422 : memref<64x128xf32, #tpu.memory_space<hbm>>) dst(%dma_wait3A_419 : memref<64x128xf32, #tpu.memory_space<vmem>>)
    %scan3A_423 = arith.constant 0 : i32
    %scan3A_424 = arith.constant 0 : i32
    %scan3A_425 = arith.constant 0 : i32
    %scan3A_426 = arith.constant 0 : i32
    %scan3A_427 = arith.constant 4 : i32
    %scan3A_428 = arith.addi %scan3A_426, %scan3A_427 : i32
    %scan3A_429 = arith.constant 1 : i32
    scf.for %scan3A_469 = %scan3A_426 to %scan3A_428 step %scan3A_429  : i32 {
      %add3A_470 = arith.constant 24 : i32
      %add3A_471 = arith.addi %add3A_470, %scan3A_469 : i32
      %mul3A_472 = arith.constant 16 : i32
      %mul3A_473 = arith.muli %scan3A_469, %mul3A_472 : i32
      %add3A_474 = vector.broadcast %mul3A_473 : i32 to vector<16xi32>
      %add3A_475 = arith.addi %add3A_474, %iota3A : vector<16xi32>
      %mul3A_476 = arith.constant 16 : i32
      %mul3A_477 = arith.muli %add3A_471, %mul3A_476 : i32
      %get3A_478 = arith.index_cast %mul3A_477 : i32 to index
      %get3A_479 = tpu.vector_load %arg9[%get3A_478] {strides = array<i32>} : memref<512xi32, #tpu.memory_space<vmem>>, vector<16xi32>,
      %mul3A_480 = arith.constant 16 : i32
      %mul3A_481 = arith.muli %add3A_471, %mul3A_480 : i32
      %get3A_482 = arith.index_cast %mul3A_481 : i32 to index
      %get3A_483 = tpu.vector_load %arg11[%get3A_482] {strides = array<i32>} : memref<512xi32, #tpu.memory_space<vmem>>, vector<16xi32>,
      %gather3A = arith.constant 0 : i32
      %gather3A_484 = arith.constant 0 : i32
      %gather3A_485 = tpu.memref_slice %arg12[%scan3A_424, %gather3A, %gather3A_484] : memref<2x64x128xf32, #tpu.memory_space<vmem>> -> memref<1x64x128xf32, #tpu.memory_space<vmem>>
      %gather3A_486 = tpu.memref_squeeze %gather3A_485 : memref<1x64x128xf32, #tpu.memory_space<vmem>> -> memref<64x128xf32, #tpu.memory_space<vmem>>
      %gather3A_487 = tpu.vector_load_idx %gather3A_486[%add3A_475, %get3A_479] : memref<64x128xf32, #tpu.memory_space<vmem>>[vector<16xi32>, vector<16xi32>], vector<16xf32>,
      %gather3A_488 = arith.constant 0 : i32
      %gather3A_489 = arith.constant 0 : i32
      %gather3A_490 = tpu.memref_slice %arg13[%scan3A_425, %gather3A_488, %gather3A_489] : memref<2x64x128xf32, #tpu.memory_space<vmem>> -> memref<1x64x128xf32, #tpu.memory_space<vmem>>
      %gather3A_491 = tpu.memref_squeeze %gather3A_490 : memref<1x64x128xf32, #tpu.memory_space<vmem>> -> memref<64x128xf32, #tpu.memory_space<vmem>>
      %gather3A_492 = tpu.vector_load_idx %gather3A_491[%add3A_475, %get3A_483] : memref<64x128xf32, #tpu.memory_space<vmem>>[vector<16xi32>, vector<16xi32>], vector<16xf32>,
      %add3A_493 = arith.addf %gather3A_487, %gather3A_492 : vector<16xf32>
      %add3A_494 = arith.addf %add3A_493, %get3A_6 : vector<16xf32>
      %mul3A_495 = arith.constant 16 : i32
      %mul3A_496 = arith.muli %add3A_471, %mul3A_495 : i32
      %swap3A = arith.index_cast %mul3A_496 : i32 to index
      %swap3A_497 = tpu.vector_load %arg14[%swap3A] {strides = array<i32>} : memref<512xf32, #tpu.memory_space<vmem>>, vector<16xf32>,
      tpu.vector_store %arg14[%swap3A], %add3A_494 {strides = array<i32>} : memref<512xf32, #tpu.memory_space<vmem>>, vector<16xf32>,
    }
    %scan3A_430 = arith.constant 4 : i32
    %dma_wait3A_431 = arith.constant 1 : i32
    %dma_wait3A_432 = arith.constant 0 : i32
    %dma_wait3A_433 = arith.constant 0 : i32
    %dma_wait3A_434 = tpu.memref_slice %arg12[%dma_wait3A_431, %dma_wait3A_432, %dma_wait3A_433] : memref<2x64x128xf32, #tpu.memory_space<vmem>> -> memref<1x64x128xf32, #tpu.memory_space<vmem>>
    %dma_wait3A_435 = tpu.memref_squeeze %dma_wait3A_434 : memref<1x64x128xf32, #tpu.memory_space<vmem>> -> memref<64x128xf32, #tpu.memory_space<vmem>>
    %dma_wait3A_436 = arith.constant 0 : i32
    %dma_wait3A_437 = arith.constant 0 : i32
    %dma_wait3A_438 = tpu.memref_slice %arg4[%dma_wait3A_436, %dma_wait3A_437] : memref<7872x128xf32, #tpu.memory_space<hbm>> -> memref<64x128xf32, #tpu.memory_space<hbm>>
    %dma_wait3A_439 = arith.constant 0 : i32
    %dma_wait3A_440 = arith.constant 0 : i32
    %dma_wait3A_441 = tpu.memref_slice %arg12[%dma_wait3A_431, %dma_wait3A_439, %dma_wait3A_440] : memref<2x64x128xf32, #tpu.memory_space<vmem>> -> memref<1x64x128xf32, #tpu.memory_space<vmem>>
    %dma_wait3A_442 = tpu.memref_squeeze %dma_wait3A_441 : memref<1x64x128xf32, #tpu.memory_space<vmem>> -> memref<64x128xf32, #tpu.memory_space<vmem>>
    %dma_wait3A_443 = arith.constant 0 : i32
    %dma_wait3A_444 = arith.constant 0 : i32
    %dma_wait3A_445 = tpu.memref_slice %arg4[%dma_wait3A_443, %dma_wait3A_444] : memref<7872x128xf32, #tpu.memory_space<hbm>> -> memref<64x128xf32, #tpu.memory_space<hbm>>
    tpu.wait_dma2 semaphore(%arg17 : memref<!tpu.dma_semaphore, #tpu.memory_space<semaphore_mem>>) src(%dma_wait3A_445 : memref<64x128xf32, #tpu.memory_space<hbm>>) dst(%dma_wait3A_442 : memref<64x128xf32, #tpu.memory_space<vmem>>)
    %dma_wait3A_446 = arith.constant 1 : i32
    %dma_wait3A_447 = arith.constant 0 : i32
    %dma_wait3A_448 = arith.constant 0 : i32
    %dma_wait3A_449 = tpu.memref_slice %arg13[%dma_wait3A_446, %dma_wait3A_447, %dma_wait3A_448] : memref<2x64x128xf32, #tpu.memory_space<vmem>> -> memref<1x64x128xf32, #tpu.memory_space<vmem>>
    %dma_wait3A_450 = tpu.memref_squeeze %dma_wait3A_449 : memref<1x64x128xf32, #tpu.memory_space<vmem>> -> memref<64x128xf32, #tpu.memory_space<vmem>>
    %dma_wait3A_451 = arith.constant 0 : i32
    %dma_wait3A_452 = arith.constant 0 : i32
    %dma_wait3A_453 = tpu.memref_slice %arg5[%dma_wait3A_451, %dma_wait3A_452] : memref<7872x128xf32, #tpu.memory_space<hbm>> -> memref<64x128xf32, #tpu.memory_space<hbm>>
    %dma_wait3A_454 = arith.constant 0 : i32
    %dma_wait3A_455 = arith.constant 0 : i32
    %dma_wait3A_456 = tpu.memref_slice %arg13[%dma_wait3A_446, %dma_wait3A_454, %dma_wait3A_455] : memref<2x64x128xf32, #tpu.memory_space<vmem>> -> memref<1x64x128xf32, #tpu.memory_space<vmem>>
    %dma_wait3A_457 = tpu.memref_squeeze %dma_wait3A_456 : memref<1x64x128xf32, #tpu.memory_space<vmem>> -> memref<64x128xf32, #tpu.memory_space<vmem>>
    %dma_wait3A_458 = arith.constant 0 : i32
    %dma_wait3A_459 = arith.constant 0 : i32
    %dma_wait3A_460 = tpu.memref_slice %arg5[%dma_wait3A_458, %dma_wait3A_459] : memref<7872x128xf32, #tpu.memory_space<hbm>> -> memref<64x128xf32, #tpu.memory_space<hbm>>
    tpu.wait_dma2 semaphore(%arg19 : memref<!tpu.dma_semaphore, #tpu.memory_space<semaphore_mem>>) src(%dma_wait3A_460 : memref<64x128xf32, #tpu.memory_space<hbm>>) dst(%dma_wait3A_457 : memref<64x128xf32, #tpu.memory_space<vmem>>)
    %scan3A_461 = arith.constant 0 : i32
    %scan3A_462 = arith.constant 1 : i32
    %scan3A_463 = arith.constant 1 : i32
    %scan3A_464 = arith.constant 0 : i32
    %scan3A_465 = arith.constant 4 : i32
    %scan3A_466 = arith.addi %scan3A_464, %scan3A_465 : i32
    %scan3A_467 = arith.constant 1 : i32
    scf.for %scan3A_469 = %scan3A_464 to %scan3A_466 step %scan3A_467  : i32 {
      %add3A_470 = arith.constant 28 : i32
      %add3A_471 = arith.addi %add3A_470, %scan3A_469 : i32
      %mul3A_472 = arith.constant 16 : i32
      %mul3A_473 = arith.muli %scan3A_469, %mul3A_472 : i32
      %add3A_474 = vector.broadcast %mul3A_473 : i32 to vector<16xi32>
      %add3A_475 = arith.addi %add3A_474, %iota3A : vector<16xi32>
      %mul3A_476 = arith.constant 16 : i32
      %mul3A_477 = arith.muli %add3A_471, %mul3A_476 : i32
      %get3A_478 = arith.index_cast %mul3A_477 : i32 to index
      %get3A_479 = tpu.vector_load %arg9[%get3A_478] {strides = array<i32>} : memref<512xi32, #tpu.memory_space<vmem>>, vector<16xi32>,
      %mul3A_480 = arith.constant 16 : i32
      %mul3A_481 = arith.muli %add3A_471, %mul3A_480 : i32
      %get3A_482 = arith.index_cast %mul3A_481 : i32 to index
      %get3A_483 = tpu.vector_load %arg11[%get3A_482] {strides = array<i32>} : memref<512xi32, #tpu.memory_space<vmem>>, vector<16xi32>,
      %gather3A = arith.constant 0 : i32
      %gather3A_484 = arith.constant 0 : i32
      %gather3A_485 = tpu.memref_slice %arg12[%scan3A_462, %gather3A, %gather3A_484] : memref<2x64x128xf32, #tpu.memory_space<vmem>> -> memref<1x64x128xf32, #tpu.memory_space<vmem>>
      %gather3A_486 = tpu.memref_squeeze %gather3A_485 : memref<1x64x128xf32, #tpu.memory_space<vmem>> -> memref<64x128xf32, #tpu.memory_space<vmem>>
      %gather3A_487 = tpu.vector_load_idx %gather3A_486[%add3A_475, %get3A_479] : memref<64x128xf32, #tpu.memory_space<vmem>>[vector<16xi32>, vector<16xi32>], vector<16xf32>,
      %gather3A_488 = arith.constant 0 : i32
      %gather3A_489 = arith.constant 0 : i32
      %gather3A_490 = tpu.memref_slice %arg13[%scan3A_463, %gather3A_488, %gather3A_489] : memref<2x64x128xf32, #tpu.memory_space<vmem>> -> memref<1x64x128xf32, #tpu.memory_space<vmem>>
      %gather3A_491 = tpu.memref_squeeze %gather3A_490 : memref<1x64x128xf32, #tpu.memory_space<vmem>> -> memref<64x128xf32, #tpu.memory_space<vmem>>
      %gather3A_492 = tpu.vector_load_idx %gather3A_491[%add3A_475, %get3A_483] : memref<64x128xf32, #tpu.memory_space<vmem>>[vector<16xi32>, vector<16xi32>], vector<16xf32>,
      %add3A_493 = arith.addf %gather3A_487, %gather3A_492 : vector<16xf32>
      %add3A_494 = arith.addf %add3A_493, %get3A_6 : vector<16xf32>
      %mul3A_495 = arith.constant 16 : i32
      %mul3A_496 = arith.muli %add3A_471, %mul3A_495 : i32
      %swap3A = arith.index_cast %mul3A_496 : i32 to index
      %swap3A_497 = tpu.vector_load %arg14[%swap3A] {strides = array<i32>} : memref<512xf32, #tpu.memory_space<vmem>>, vector<16xf32>,
      tpu.vector_store %arg14[%swap3A], %add3A_494 {strides = array<i32>} : memref<512xf32, #tpu.memory_space<vmem>>, vector<16xf32>,
    }
    %scan3A_468 = arith.constant 4 : i32
    "tpu.region"() ({
      %run_scoped3A = tpu.sem_alloc : memref<!tpu.dma_semaphore, #tpu.memory_space<semaphore_mem>>
      %dma_start3A_469 = arith.constant 0 : i32
      %dma_start3A_470 = tpu.memref_slice %arg7[%add3A, %dma_start3A_469] : memref<32x512xf32, #tpu.memory_space<hbm>> -> memref<1x512xf32, #tpu.memory_space<hbm>>
      %dma_start3A_471 = tpu.memref_squeeze %dma_start3A_470 : memref<1x512xf32, #tpu.memory_space<hbm>> -> memref<512xf32, #tpu.memory_space<hbm>>
      %dma_start3A_472 = arith.constant 0 : i32
      %dma_start3A_473 = tpu.memref_slice %arg7[%add3A, %dma_start3A_472] : memref<32x512xf32, #tpu.memory_space<hbm>> -> memref<1x512xf32, #tpu.memory_space<hbm>>
      %dma_start3A_474 = tpu.memref_squeeze %dma_start3A_473 : memref<1x512xf32, #tpu.memory_space<hbm>> -> memref<512xf32, #tpu.memory_space<hbm>>
      tpu.enqueue_dma source(%arg14 : memref<512xf32, #tpu.memory_space<vmem>>) target(%dma_start3A_474 : memref<512xf32, #tpu.memory_space<hbm>>) target_semaphore(%run_scoped3A : memref<!tpu.dma_semaphore, #tpu.memory_space<semaphore_mem>>)
      %dma_wait3A_475 = arith.constant 0 : i32
      %dma_wait3A_476 = tpu.memref_slice %arg7[%add3A, %dma_wait3A_475] : memref<32x512xf32, #tpu.memory_space<hbm>> -> memref<1x512xf32, #tpu.memory_space<hbm>>
      %dma_wait3A_477 = tpu.memref_squeeze %dma_wait3A_476 : memref<1x512xf32, #tpu.memory_space<hbm>> -> memref<512xf32, #tpu.memory_space<hbm>>
      %dma_wait3A_478 = arith.constant 0 : i32
      %dma_wait3A_479 = tpu.memref_slice %arg7[%add3A, %dma_wait3A_478] : memref<32x512xf32, #tpu.memory_space<hbm>> -> memref<1x512xf32, #tpu.memory_space<hbm>>
      %dma_wait3A_480 = tpu.memref_squeeze %dma_wait3A_479 : memref<1x512xf32, #tpu.memory_space<hbm>> -> memref<512xf32, #tpu.memory_space<hbm>>
      tpu.wait_dma2 semaphore(%run_scoped3A : memref<!tpu.dma_semaphore, #tpu.memory_space<semaphore_mem>>) src(%arg14 : memref<512xf32, #tpu.memory_space<vmem>>) dst(%dma_wait3A_480 : memref<512xf32, #tpu.memory_space<hbm>>)
      tpu.yield
    }) : () -> ()
    return
  }
}

module attributes {stable_mosaic.version = 14 : i64} {
  func.func @_tc_scores_body(%arg0: i32, %arg1: memref<64x24576xf32, #tpu.memory_space<vmem>>, %arg2: memref<64x24576xf32, #tpu.memory_space<vmem>>, %arg3: memref<64x1xf32, #tpu.memory_space<vmem>>, %arg4: memref<64x1xf32, #tpu.memory_space<vmem>>, %arg5: memref<192x128xf32, #tpu.memory_space<vmem>>, %arg6: memref<192x128xf32, #tpu.memory_space<vmem>>) attributes {dimension_semantics = [#tpu.dimension_semantics<arbitrary>], iteration_bounds = array<i64: 41>, scalar_prefetch = 0 : i64, scratch_operands = 0 : i64, tpu.core_type = #tpu.core_type<tc>, window_params = [{transform_indices = @transform_0, window_bounds = array<i64: 64, 24576>}, {transform_indices = @transform_1, window_bounds = array<i64: 64, 24576>}, {pipeline_mode = #tpu.pipeline_mode<synchronous>, transform_indices = @transform_2, window_bounds = array<i64: 64, 1>}, {pipeline_mode = #tpu.pipeline_mode<synchronous>, transform_indices = @transform_3, window_bounds = array<i64: 64, 1>}, {transform_indices = @transform_4, window_bounds = array<i64: 192, 128>}, {transform_indices = @transform_5, window_bounds = array<i64: 192, 128>}]} {
    %get3A = arith.constant 0 : index
    %get3A_0 = arith.constant 0 : index
    %get3A_1 = vector.load %arg1[%get3A, %get3A_0] : memref<64x24576xf32, #tpu.memory_space<vmem>>, vector<64x24576xf32>
    %get3A_2 = arith.constant 0 : index
    %get3A_3 = arith.constant 0 : index
    %get3A_4 = vector.load %arg3[%get3A_2, %get3A_3] : memref<64x1xf32, #tpu.memory_space<vmem>>, vector<64x1xf32>
    %mul3A = vector.broadcast %get3A_4 : vector<64x1xf32> to vector<64x24576xf32>
    %mul3A_5 = arith.mulf %get3A_1, %mul3A : vector<64x24576xf32>
    %reduce_sum3A = arith.constant dense<0.000000e+00> : vector<24576xf32>
    %reduce_sum3A_6 = vector.multi_reduction <add>, %mul3A_5, %reduce_sum3A [0] : vector<64x24576xf32> to vector<24576xf32>
    %reshape3A = vector.shape_cast %reduce_sum3A_6 : vector<24576xf32> to vector<192x128xf32>
    %swap3A = arith.constant 0 : index
    %swap3A_7 = arith.constant 0 : index
    %swap3A_8 = vector.load %arg5[%swap3A, %swap3A_7] : memref<192x128xf32, #tpu.memory_space<vmem>>, vector<192x128xf32>
    tpu.vector_store %arg5[%swap3A, %swap3A_7], %reshape3A {strides = array<i32>} : memref<192x128xf32, #tpu.memory_space<vmem>>, vector<192x128xf32>,
    %get3A_9 = arith.constant 0 : index
    %get3A_10 = arith.constant 0 : index
    %get3A_11 = vector.load %arg2[%get3A_9, %get3A_10] : memref<64x24576xf32, #tpu.memory_space<vmem>>, vector<64x24576xf32>
    %get3A_12 = arith.constant 0 : index
    %get3A_13 = arith.constant 0 : index
    %get3A_14 = vector.load %arg4[%get3A_12, %get3A_13] : memref<64x1xf32, #tpu.memory_space<vmem>>, vector<64x1xf32>
    %mul3A_15 = vector.broadcast %get3A_14 : vector<64x1xf32> to vector<64x24576xf32>
    %mul3A_16 = arith.mulf %get3A_11, %mul3A_15 : vector<64x24576xf32>
    %reduce_sum3A_17 = arith.constant dense<0.000000e+00> : vector<24576xf32>
    %reduce_sum3A_18 = vector.multi_reduction <add>, %mul3A_16, %reduce_sum3A_17 [0] : vector<64x24576xf32> to vector<24576xf32>
    %reshape3A_19 = vector.shape_cast %reduce_sum3A_18 : vector<24576xf32> to vector<192x128xf32>
    %swap3A_20 = arith.constant 0 : index
    %swap3A_21 = arith.constant 0 : index
    %swap3A_22 = vector.load %arg6[%swap3A_20, %swap3A_21] : memref<192x128xf32, #tpu.memory_space<vmem>>, vector<192x128xf32>
    tpu.vector_store %arg6[%swap3A_20, %swap3A_21], %reshape3A_19 {strides = array<i32>} : memref<192x128xf32, #tpu.memory_space<vmem>>, vector<192x128xf32>,
    return
  }
  func.func @transform_0(%arg0: i32) -> (i32, i32) {
    %c0_i32 = arith.constant 0 : i32
    %c0_i32_0 = arith.constant 0 : i32
    return %c0_i32, %arg0 : i32, i32
  }
  func.func @transform_1(%arg0: i32) -> (i32, i32) {
    %c0_i32 = arith.constant 0 : i32
    %c0_i32_0 = arith.constant 0 : i32
    return %c0_i32, %arg0 : i32, i32
  }
  func.func @transform_2(%arg0: i32) -> (i32, i32) {
    %c0_i32 = arith.constant 0 : i32
    %c0_i32_0 = arith.constant 0 : i32
    %c0_i32_1 = arith.constant 0 : i32
    return %c0_i32, %c0_i32_0 : i32, i32
  }
  func.func @transform_3(%arg0: i32) -> (i32, i32) {
    %c0_i32 = arith.constant 0 : i32
    %c0_i32_0 = arith.constant 0 : i32
    %c0_i32_1 = arith.constant 0 : i32
    return %c0_i32, %c0_i32_0 : i32, i32
  }
  func.func @transform_4(%arg0: i32) -> (i32, i32) {
    %c0_i32 = arith.constant 0 : i32
    %c0_i32_0 = arith.constant 0 : i32
    return %arg0, %c0_i32 : i32, i32
  }
  func.func @transform_5(%arg0: i32) -> (i32, i32) {
    %c0_i32 = arith.constant 0 : i32
    %c0_i32_0 = arith.constant 0 : i32
    return %arg0, %c0_i32 : i32, i32
  }
}

</mosaic_0001>

<sc_bundles>
// kernel: kernel.4.cloned.1.call-start
scs
__scs_entry_jumppad:
0x0: {  	(pc) =	sbr.rel $0x88, $3  }
0x1: {  	(tag) =	ssettag $0x0;
	lr =	simm.s32 $0x1  }
0x2: {  	[smem:$0x3F9B] =	sst lr;
	_ =	strace $0xD0000000  }
0x3: {  	_ = 	snop  }
0x4: {  	_ = 	snop  }
0x5: {  	_ = 	snop  }
0x6: {  	_ = 	snop  }
0x7: {  	_ = 	snop  }
__scs_overlays_trampoline_lowered:
0x8: {  	[smem:$0x3FAA] =	sst s0  }
0x9: {  	[smem:$0x3FAB] =	sst s1  }
0xa: {  	[smem:$0x3FAC] =	sst s2  }
0xb: {  	[smem:$0x3FAD] =	sst s3  }
0xc: {  	[smem:$0x3FAE] =	sst s4  }
0xd: {  	[smem:$0x3FAF] =	sst s5  }
0xe: {  	[smem:$0x3FB0] =	sst s6  }
0xf: {  	[smem:$0x3FB1] =	sst s7  }
0x10: {  	[smem:$0x3FB2] =	sst s8  }
0x11: {  	[smem:$0x3FB3] =	sst s9;
	s0 =	simm.s32 @!p0 $0x0  }
0x12: {  	s1 =	sld [smem:$0x3F99];
	s0 =	simm.s32 @p0 $0x1  }
0x13: {  	[smem:$0x3FB4] =	sst s0;
	s0 =	simm.s32 @!p1 $0x0  }
0x14: {  	s2 =	sld [smem:$0x3F98];
	s0 =	simm.s32 @p1 $0x1  }
0x15: {  	[smem:$0x3FB5] =	sst s0;
	s0 =	simm.s32 @!p2 $0x0  }
0x16: {  	s3 =	sld [smem:$0x3FDB];
	s0 =	simm.s32 @p2 $0x1  }
0x17: {  	s4 =	simm.s32 $0x1BF5;
	[smem:$0x3FB7] =	sst s0  }
0x18: {  	s0 =	sld [smem:$0x3F9A];
	_ =	swait.ge [sflag:s4], $0x0  }
0x19: {  	s7 =	sld [smem:$0x3F9B]  }
0x1a: {  	s8 =	sadd.s32 $0xFFFFE003, lr  }
0x1b: {  	s9 =	sadd.s32 $0xFFFFFEF7, lr;
	s5 =	simm.s32 $0xFFFFFFFF;
	p2 =	slt.u32 s8, $0xFFFFF086  }
0x1c: {  	p1 =	slt.u32 s9, $0xF7A;
	s5 =	simm.s32 @!p2 $0x0  }
0x1d: {  	s5 =	simm.s32 @p1 $0x1;
	p0 =	seq.s32 s7, s2  }
0x1e: {  	s7 =	smul.u32 @!p0 $0xF7A, s2;
	p2 =	seq.s32 @!p0 s5, $0x0  }
0x1f: {  	s9 =	smul.u32 $0xF7A, s1;
	s8 =	simm.s32 @!p0 $0x1BF5;
	p2 =	por !p2, p0  }
0x20: {  	[sflag:s8] =	ssyncset.s32 @!p0 $0xFFFFF086;
	s6 =	sadd.s32 @!p0 s3, s7;
	s7 =	simm.s32 @!p0 $0x108  }
0x21: {  	s3 =	sadd.s32 s3, s9;
	s6 =	sadd.s32 @!p0 $0x88, s6;
	s7 =	simm.s32 @p2 $0x1082  }
0x22: {  	[simem:s7], [sflag:s8] =	dma.local @!p0 [hbm:s6], $0xF7A  }
0x23: {  	s9 =	sor.u32 $0xD0000000, s2;
	s6 =	simm.s32 $0x108;
	_ =	swait.ge @!p0 [sflag:s8], $0x0  }
0x24: {  	s3 =	sadd.s32 $0x88, s3;
	s6 =	simm.s32 @!p1 $0x1082;
	[sflag:s4] =	ssyncset.s32 $0xFFFFF086  }
0x25: {  	[simem:s6], [sflag:s4] =	dma.local [hbm:s3], $0xF7A  }
0x26: {  	[smem:$0x3F9B] =	sst s1;
	(tag) =	ssettag s2;
	_ =	strace s9  }
0x27: {  	s1 =	sld [smem:$0x3FAB]  }
0x28: {  	s2 =	sld [smem:$0x3FAC]  }
0x29: {  	s4 =	sld [smem:$0x3FAE]  }
0x2a: {  	p0 =	seq.s32 s5, $0x0;
	s5 =	sld [smem:$0x3FAF]  }
0x2b: {  	s6 =	sld [smem:$0x3FB0]  }
0x2c: {  	s7 =	sld [smem:$0x3FB1]  }
0x2d: {  	s3 =	simm.s32 $0x108;
	s8 =	sld [smem:$0x3FB2]  }
0x2e: {  	s3 =	simm.s32 @!p0 $0x1082;
	s9 =	sld [smem:$0x3FB3]  }
0x2f: {  	lr =	sadd.s32 s0, s3;
	s0 =	sld [smem:$0x3FAA]  }
0x30: {  	s3 =	sld [smem:$0x3FAD]  }
0x31: {  	[smem:$0x3FB6] =	sst s10  }
0x32: {  	s10 =	sld [smem:$0x3FB4];
	_ =	sdelay $0x3  }
0x33: {  	p0 =	seq.s32 s10, $0x1;
	s10 =	sld [smem:$0x3FB6];
	_ =	sdelay $0x3  }
0x34: {  	[smem:$0x3FB6] =	sst s10  }
0x35: {  	s10 =	sld [smem:$0x3FB5];
	_ =	sdelay $0x3  }
0x36: {  	p1 =	seq.s32 s10, $0x1;
	s10 =	sld [smem:$0x3FB6];
	_ =	sdelay $0x3  }
0x37: {  	[smem:$0x3FB6] =	sst s10  }
0x38: {  	s10 =	sld [smem:$0x3FB7]  }
0x39: {  	_ = 	snop;
	(pc) =	sbr.ind lr, $3  }
0x3a: {  	_ = 	snop  }
0x3b: {  	_ = 	snop  }
0x3c: {  	p2 =	seq.s32 s10, $0x1;
	s10 =	sld [smem:$0x3FB6]  }
0x3d: {  	_ =	shalt  }
0x3e: {  	_ =	shalt  }
0x3f: {  	_ =	shalt  }
0x40: {  	_ =	shalt  }
0x41: {  	_ =	shalt  }
0x42: {  	_ =	shalt  }
0x43: {  	_ =	shalt  }
0x44: {  	_ =	shalt  }
0x45: {  	_ =	shalt  }
0x46: {  	_ =	shalt  }
0x47: {  	_ =	shalt  }
0x48: {  	_ =	shalt  }
0x49: {  	_ =	shalt  }
0x4a: {  	_ =	shalt  }
0x4b: {  	_ =	shalt  }
0x4c: {  	_ =	shalt  }
0x4d: {  	_ =	shalt  }
0x4e: {  	_ =	shalt  }
0x4f: {  	_ =	shalt  }
0x50: {  	_ =	shalt  }
0x51: {  	_ =	shalt  }
0x52: {  	_ =	shalt  }
0x53: {  	_ =	shalt  }
0x54: {  	_ =	shalt  }
0x55: {  	_ =	shalt  }
0x56: {  	_ =	shalt  }
0x57: {  	_ =	shalt  }
0x58: {  	_ =	shalt  }
0x59: {  	_ =	shalt  }
0x5a: {  	_ =	shalt  }
0x5b: {  	_ =	shalt  }
0x5c: {  	_ =	shalt  }
0x5d: {  	_ =	shalt  }
0x5e: {  	_ =	shalt  }
0x5f: {  	_ =	shalt  }
0x60: {  	_ =	shalt  }
0x61: {  	_ =	shalt  }
0x62: {  	_ =	shalt  }
0x63: {  	_ =	shalt  }
0x64: {  	_ =	shalt  }
0x65: {  	_ =	shalt  }
0x66: {  	_ =	shalt  }
0x67: {  	_ =	shalt  }
0x68: {  	_ =	shalt  }
0x69: {  	_ =	shalt  }
0x6a: {  	_ =	shalt  }
0x6b: {  	_ =	shalt  }
0x6c: {  	_ =	shalt  }
0x6d: {  	_ =	shalt  }
0x6e: {  	_ =	shalt  }
0x6f: {  	_ =	shalt  }
0x70: {  	_ =	shalt  }
0x71: {  	_ =	shalt  }
0x72: {  	_ =	shalt  }
0x73: {  	_ =	shalt  }
0x74: {  	_ =	shalt  }
0x75: {  	_ =	shalt  }
0x76: {  	_ =	shalt  }
0x77: {  	_ =	shalt  }
0x78: {  	_ =	shalt  }
0x79: {  	_ =	shalt  }
0x7a: {  	_ =	shalt  }
0x7b: {  	_ =	shalt  }
0x7c: {  	_ =	shalt  }
0x7d: {  	_ =	shalt  }
0x7e: {  	_ =	shalt  }
0x7f: {  	_ =	shalt  }
0x80: {  	_ =	shalt  }
0x81: {  	_ =	shalt  }
0x82: {  	_ =	shalt  }
0x83: {  	_ =	shalt  }
0x84: {  	_ =	shalt  }
0x85: {  	_ =	shalt  }
0x86: {  	_ =	shalt  }
0x87: {  	_ =	shalt  }
.Lfunc_end0:
.L_simem_size_0:
called_computation_lowered:
.L_overlay_start_0:
0x88: {  	s2 =	sld [smem:$0x3FD9]  }
0x89: {  	s3 =	sld [smem:$0x3FFE];
	_ =	sdelay $0x1  }
0x8a: {  	s1 =	srdreg.scid  }
0x8b: {  	s0 =	sand.u32 $0x1, s1  }
0x8c: {  	s17 =	sshll.u32 s0, $0xA;
	s2 =	sadd.s32 s3, s2  }
0x8d: {  	s2 =	sadd.s32 s2, s17  }
0x8e: {  	[smem:$0x3FC2] =	sst s2  }
0x8f: {  	_ = 	snop  }
0x90: {  	s2 =	sld [smem:$0x3FD0];
	(tm) =	ssettm $0x1  }
0x91: {  	s18 =	sld [smem:$0x3FFB];
	_ =	sdelay $0x3  }
0x92: {  	_ =	strace s18  }
0x93: {  	s3 =	sld [smem:$0x3FFC];
	_ =	sdelay $0x3  }
0x94: {  	_ =	strace s3  }
0x95: {  	s3 =	sld [smem:$0x3FFD];
	_ =	sdelay $0x3  }
0x96: {  	_ =	strace s3  }
0x97: {  	_ =	strace $0x8FFFFFFF  }
0x98: {  	s19 =	sld [smem:$0x3FDB];
	_ =	sdelay $0x1  }
0x99: {  	s4 =	simm.s32 $_scs_section_size  }
0x9a: {  	s5 =	simm.s32 $_size__tile_overlayer_lowered;
	s6 =	simm.s32 $_tile_overlayer_lowered  }
0x9b: {  	s22 =	simm.s32 $0x1BFF;
	s21 =	sshll.u32 s6, $0x1;
	s3 =	sadd.s32 s4, s19  }
0x9c: {  	s7 =	simm.s32 $0x0;
	s20 =	sshll.u32 s5, $0x1;
	s5 =	sadd.s32 s21, s3  }
0x9d: {  	[timem:s7], [sflag:s22] =	dma.local [hbm:s5], s20  }
0x9e: {  	_ =	swait.ge [sflag:s22], s20  }
0x9f: {  	s4 =	ssub.s32 $0x0, s20;
	[sflag:s22] =	ssyncset.done $0x0  }
0xa0: {  	[sflag:s22] =	ssyncadd.s32 s4;
	_ =	sdelay $0x1  }
0xa1: {  	s23 =	simm.s32 $0x1B8B  }
0xa2: {  	_ =	swait.ge [sflag:s23], $0x1  }
0xa3: {  	[sflag:s23] =	ssyncset.done $0x0  }
0xa4: {  	s25 =	simm.s32 $0x1B8E;
	s24 =	sld [smem:$0x3FFE];
	[sflag:s23] =	ssyncadd.s32 $0xFFFFFFFF  }
0xa5: {  	s26 =	simm.s32 $execute0_lowered;
	[smem:$0x3FD2] =	sst s25  }
0xa6: {  	s5 =	sshll.u32 s26, $0x1;
	_ =	strace $0x80000046;
	[dreg:$0x1] =	wrdreg $0xFFFFFFFF  }
0xa7: {  	s28 =	simm.s32 $_size_execute0_lowered;
	s3 =	sadd.s32 s3, s5;
	[dreg:$0x0] =	wrdreg $0x0  }
0xa8: {  	s5 =	sshll.u32 s28, $0x1;
	[dreg:$0x2] =	wrdreg s3  }
0xa9: {  	[dreg:$0x3] =	wrdreg s5  }
0xaa: {  	[dreg:$0x4] =	wrdreg $0xC0  }
0xab: {  	_ =	task [dreg:s7], $0x5FFFF  }
0xac: {  	[dreg:$0x1] =	wrdreg $0xFFFFFFFF  }
0xad: {  	[dreg:$0x0] =	wrdreg $0x60  }
0xae: {  	[dreg:$0x2] =	wrdreg s2  }
0xaf: {  	[dreg:$0x3] =	wrdreg s24  }
0xb0: {  	[dreg:$0x4] =	wrdreg $0x9  }
0xb1: {  	_ =	task.clear_ibuf [dreg:s7], $0x5FFFF;
	_ =	strace $0x90000046  }
0xb2: {  	s29 =	simm.s32 $0x9;
	_ =	strace $0x80000048  }
0xb3: {  	_ =	swait.ge [sflag:s29], $0x1  }
0xb4: {  	[sflag:s29] =	ssyncadd.s32 $0xFFFFFFFF  }
0xb5: {  	_ =	strace $0x90000048  }
0xb6: {  	_ =	sfence  }
0xb7: {  	s30 =	sld [smem:$0x0];
	_ =	sdelay $0x2  }
0xb8: {  	s31 =	sshll.u32 s1, $0xD;
	s1 =	sshrl.u32 s1, $0x2  }
0xb9: {  	s3 =	sand.u32 $0x4000, s31;
	s1 =	sadd.s32 s1, s30  }
0xba: {  	s0 =	sor.u32 s3, s0;
	s1 =	sshll.u32 s1, $0x11  }
0xbb: {  	s0 =	sor.u32 s1, s0  }
0xbc: {  	s0 =	sadd.s32 $0x8F2B, s0  }
0xbd: {  	[sflag:s0] =	ssyncadd.remote.s32 $0x1  }
0xbe: {  	_ =	sfence.sel $0xFFFF  }
0xbf: {  	[dreg:$0x0] =	wrdreg $0xFFFFFFFF;
	(pc) =	sbr.abs _section_cstart, $3  }
0xc0: {  	[dreg:$0x1] =	wrdreg $0xFFFFFFFF  }
0xc1: {  	_ =	task.clear_ibuf [dreg:s7], $0x2FFFF;
	_ =	strace $0x9FFFFFFF  }
0xc2: {  	(tm) =	ssettm $0x7FFFFFFF  }
0xc3: {  	_ =	shalt  }
tec
execute0_lowered:
.L_overlay_start_1:
0x0: {  	(tag) =	ssettag $0x1  }
0x1: {  	s0 =	rddreg [dreg:$0x0]  }
0x2: {  	s2 =	rddreg [dreg:$0x1];
	s1 =	simm.s32 $0x0;
	s5 =	srdreg.scid  }
0x3: {  	s7 =	stileid.u32;
	s10 =	simm.s32 $0x80;
	s11 =	simm.s32 $0x400  }
0x4: {  	s12 =	simm.s32 $0x5;
	s14 =	simm.s32 $0x40;
	s15 =	simm.s32 $0x800  }
0x5: {  	s16 =	simm.s32 $0x4800;
	s17 =	simm.s32 $0x2800;
	s19 =	simm.s32 $0x6800  }
0x6: {  	s20 =	simm.s32 $0x1;
	s21 =	simm.s32 $0x3;
	s23 =	simm.s32 $0x2  }
0x7: {  	s24 =	simm.s32 $0x4;
	s30 =	simm.s32 $0x140;
	s31 =	simm.s32 $0x540  }
0x8: {  	s13 =	simm.s32 $0x1C0;
	s18 =	simm.s32 $0x5C0;
	s22 =	simm.s32 $0x8800  }
0x9: {  	s25 =	simm.s32 $0x0;
	[smem:$0x7FF] =	sst s1;
	s3 =	sadd.s32 $0x1400, s2  }
0xa: {  	s4 =	sadd.s32 $0x20000, s2;
	s5 =	sand.u32 $0x1, s5;
	s6 =	sshll.u32 s7, $0x5  }
0xb: {  	s7 =	sshll.u32 s7, $0x7;
	s8 =	sshll.u32 s5, $0x4;
	s6 =	sand.u32 $0x60, s6  }
0xc: {  	s7 =	sand.u32 $0x600, s7;
	s28 =	ssub.s32 $0x2, s5;
	s6 =	sor.u32 s8, s6  }
0xd: {  	v0 =	vlaneseq.u32;
	_ =	strace $0x80000047;
	s29 =	sshrl.u32 s28, $0x1;
	s6 =	sor.u32 s7, s6  }
0xe: {  	v0 =	vmul.u32 $0x80, v0;
	s5 =	sadd.s32 $0x3EC00, s2;
	s9 =	ssub.s32 s28, s29;
	s2 =	sadd.s32 s6, s2  }
0xf: {  	s6 =	sadd.s32 s0, s6;
	s9 =	smax.u32 s9, $0x1;
	s0 =	simm.s32 $0x180  }
0x10: {  	v1 =	vor.u32 $0x800, v0;
	v2 =	vor.u32 $0x1000, v0;
	v3 =	vor.u32 $0x1800, v0;
	s7 =	sadd.s32 $0xC00, s2;
	s8 =	sadd.s32 $0x3EE00, s2;
	s2 =	simm.s32 $0x580  }
.LBB2_1:
0x11: {  	[tilespmem:s1], [sflag:$0x5] =	stream.strided.gather [hbm4b:s6+s10], $0x200, s11, s10, $0x38;
	[tilespmem:$0x8A80] =	vst v63  }
0x12: {  	_ =	swait.ge [sflag:s12], $0x200  }
0x13: {  	[sflag:s12] =	ssyncset.done $0x0  }
0x14: {  	[sflag:s12] =	ssyncadd.s32 $0xFFFFFE00  }
0x15: {  	[tilespmem:s11], [sflag:$0x5] =	stream.strided.gather [hbm4b:s7+s10], $0x200, s11, s10, $0x38;
	[tilespmem:$0x8A80] =	vst v63  }
0x16: {  	_ =	swait.ge [sflag:s12], $0x200  }
0x17: {  	[sflag:s12] =	ssyncset.done $0x0  }
0x18: {  	s26 =	simm.s32 $0x8A00;
	[sflag:s12] =	ssyncadd.s32 $0xFFFFFE00  }
0x19: {  	[tilespmem:s26], [sflag:$0x5] =	stream.linear.gather [hbm4b:s5+s1], $0x80, $0x38;
	[tilespmem:$0x8A80] =	vst v63  }
0x1a: {  	_ =	swait.ge [sflag:s12], $0x80  }
0x1b: {  	[sflag:s12] =	ssyncset.done $0x0  }
0x1c: {  	s26 =	simm.s32 $0x0;
	[sflag:s12] =	ssyncadd.s32 $0xFFFFFF80  }
0x1d: {  	v5 =	vld [tilespmem:s26+$0x0]  }
0x1e: {  	v6 =	vld [tilespmem:s26+$0x400];
	_ =	sdelay $0x3  }
0x1f: {  	v4 =	vshra.s32 v5, $0x7  }
0x20: {  	s28 =	simm.s32 $0x10;
	v7 =	vshra.s32 v6, $0x7;
	[tilespmem:s26+$0x0] =	vst v4  }
0x21: {  	s29 =	simm.s32 $0x80;
	v5 =	vand.u32 $0x7F, v5;
	v6 =	vand.u32 $0x7F, v6;
	v4 =	vld [tilespmem:s28+$0x0];
	[tilespmem:s26+$0x400] =	vst v7  }
.LBB2_2:
0x22: {  	p0 =	sne.s32 s29, $0x7C0;
	v7 =	vld [tilespmem:s28+$0x400];
	[tilespmem:s26+$0x200] =	vst v5  }
0x23: {  	[tilespmem:s26+$0x600] =	vst v6;
	s26 =	smov.u32 s28  }
.Ltmp0:
0x24: {  	(pc) =	sbr.rel @p0 .LBB2_2-.Ltmp0, $4  }
0x25: {  	_ = 	snop  }
0x26: {  	v5 =	vand.u32 $0x7F, v4;
	v4 =	vshra.s32 v4, $0x7  }
0x27: {  	s28 =	sshra.s32 s29, $0x2;
	[tilespmem:s26+$0x0] =	vst v4;
	v6 =	vand.u32 $0x7F, v7;
	v7 =	vshra.s32 v7, $0x7  }
0x28: {  	s29 =	sadd.s32 $0x40, s29;
	v4 =	vld [tilespmem:s28+$0x0];
	[tilespmem:s26+$0x400] =	vst v7  }
0x29: {  	_ = 	snop  }
0x2a: {  	v7 =	vld [tilespmem:s28+$0x400];
	_ =	sdelay $0x1  }
0x2b: {  	[tilespmem:s26+$0x200] =	vst v5  }
0x2c: {  	[tilespmem:s26+$0x600] =	vst v6;
	v5 =	vshra.s32 v4, $0x7  }
0x2d: {  	v4 =	vand.u32 $0x7F, v4;
	[tilespmem:s28+$0x0] =	vst v5  }
0x2e: {  	v5 =	vshra.s32 v7, $0x7;
	[tilespmem:s28+$0x200] =	vst v4  }
0x2f: {  	[tilespmem:s28+$0x400] =	vst v5;
	v5 =	vand.u32 $0x7F, v7  }
0x30: {  	[tilespmem:s28+$0x600] =	vst v5  }
0x31: {  	v4 =	vld [tilespmem:$0x8A00];
	[tilespmem:s15], [sflag:$0x1] =	stream.indirect.gather [hbm4b:s3+s14], $0x80, s1, s14, $0xb8  }
0x32: {  	_ = 	snop  }
0x33: {  	[tilespmem:s16], [sflag:$0x3] =	stream.indirect.gather [hbm4b:s4+s14], $0x80, s11, s14, $0xb8;
	[tilespmem:$0x8A80] =	vst v63  }
0x34: {  	_ = 	snop  }
0x35: {  	[tilespmem:s17], [sflag:$0x2] =	stream.indirect.gather [hbm4b:s3+s14], $0x80, s14, s14, $0xb8;
	[tilespmem:$0x8A80] =	vst v63  }
0x36: {  	s28 =	simm.s32 $0x440  }
0x37: {  	[tilespmem:s19], [sflag:$0x4] =	stream.indirect.gather [hbm4b:s4+s14], $0x80, s28, s14, $0xb8;
	[tilespmem:$0x8A80] =	vst v63  }
0x38: {  	_ =	swait.ge [sflag:s20], $0x2000  }
0x39: {  	[sflag:s20] =	ssyncset.done $0x0  }
0x3a: {  	[sflag:s20] =	ssyncadd.s32 $0xFFFFE000  }
0x3b: {  	_ =	swait.ge [sflag:s21], $0x2000  }
0x3c: {  	[sflag:s21] =	ssyncset.done $0x0  }
0x3d: {  	[sflag:s21] =	ssyncadd.s32 $0xFFFFE000  }
0x3e: {  	v5 =	vld [tilespmem:$0x200]  }
0x3f: {  	v41 =	vld [tilespmem:$0x600];
	_ =	sdelay $0x3  }
0x40: {  	v5 =	vadd.s32 v0, v5  }
0x41: {  	v6 =	vadd.s32 v0, v41;
	_ =	sdelay $0x2  }
0x42: {  	v42 =	vld [tilespmem:$0x210]  }
0x43: {  	v5 =	vld.idx.msk [tilespmem:v5+s15+$0x0], $0xffff  }
0x44: {  	v6 =	vld.idx.msk [tilespmem:v6+s16+$0x0], $0xffff  }
0x45: {  	v8 =	vld [tilespmem:$0x610];
	_ =	sdelay $0x3  }
0x46: {  	v43 =	vadd.s32 v1, v42;
	v5 =	vadd.f32 v6, v5  }
0x47: {  	v44 =	vadd.s32 v1, v8  }
0x48: {  	v5 =	vadd.f32 v5, v4;
	_ =	sdelay $0x1  }
0x49: {  	v46 =	vld [tilespmem:$0x220];
	[tilespmem:$0x8800] =	vst v5  }
0x4a: {  	v5 =	vld.idx.msk [tilespmem:v43+s15+$0x0], $0xffff  }
0x4b: {  	v45 =	vld.idx.msk [tilespmem:v44+s16+$0x0], $0xffff  }
0x4c: {  	v47 =	vld [tilespmem:$0x620];
	_ =	sdelay $0x3  }
0x4d: {  	v48 =	vadd.s32 v2, v46;
	v5 =	vadd.f32 v45, v5  }
0x4e: {  	v49 =	vadd.s32 v2, v47  }
0x4f: {  	v5 =	vadd.f32 v5, v4;
	_ =	sdelay $0x1  }
0x50: {  	v51 =	vld [tilespmem:$0x230];
	[tilespmem:$0x8810] =	vst v5  }
0x51: {  	v5 =	vld.idx.msk [tilespmem:v48+s15+$0x0], $0xffff  }
0x52: {  	v50 =	vld.idx.msk [tilespmem:v49+s16+$0x0], $0xffff  }
0x53: {  	v52 =	vld [tilespmem:$0x630];
	_ =	sdelay $0x3  }
0x54: {  	v53 =	vadd.s32 v3, v51;
	v5 =	vadd.f32 v50, v5  }
0x55: {  	v54 =	vadd.s32 v3, v52  }
0x56: {  	v5 =	vadd.f32 v5, v4;
	_ =	sdelay $0x1  }
0x57: {  	[tilespmem:$0x8820] =	vst v5  }
0x58: {  	v5 =	vld.idx.msk [tilespmem:v53+s15+$0x0], $0xffff  }
0x59: {  	v55 =	vld.idx.msk [tilespmem:v54+s16+$0x0], $0xffff;
	_ =	sdelay $0x4  }
0x5a: {  	v5 =	vadd.f32 v55, v5;
	_ =	sdelay $0x1  }
0x5b: {  	v5 =	vadd.f32 v5, v4;
	_ =	sdelay $0x1  }
0x5c: {  	[tilespmem:$0x8830] =	vst v5  }
0x5d: {  	[tilespmem:s15], [sflag:$0x1] =	stream.indirect.gather [hbm4b:s3+s14], $0x80, s10, s14, $0xb8;
	[tilespmem:$0x8A80] =	vst v63  }
0x5e: {  	s29 =	simm.s32 $0x480  }
0x5f: {  	[tilespmem:s16], [sflag:$0x3] =	stream.indirect.gather [hbm4b:s4+s14], $0x80, s29, s14, $0xb8;
	[tilespmem:$0x8A80] =	vst v63  }
0x60: {  	_ =	swait.ge [sflag:s23], $0x2000  }
0x61: {  	[sflag:s23] =	ssyncset.done $0x0  }
0x62: {  	[sflag:s23] =	ssyncadd.s32 $0xFFFFE000  }
0x63: {  	_ =	swait.ge [sflag:s24], $0x2000  }
0x64: {  	[sflag:s24] =	ssyncset.done $0x0  }
0x65: {  	[sflag:s24] =	ssyncadd.s32 $0xFFFFE000  }
0x66: {  	v5 =	vld [tilespmem:$0x240]  }
0x67: {  	v56 =	vld [tilespmem:$0x640];
	_ =	sdelay $0x3  }
0x68: {  	v5 =	vadd.s32 v0, v5  }
0x69: {  	v6 =	vadd.s32 v0, v56;
	_ =	sdelay $0x2  }
0x6a: {  	v57 =	vld [tilespmem:$0x250]  }
0x6b: {  	v5 =	vld.idx.msk [tilespmem:v5+s17+$0x0], $0xffff  }
0x6c: {  	v6 =	vld.idx.msk [tilespmem:v6+s19+$0x0], $0xffff  }
0x6d: {  	v58 =	vld [tilespmem:$0x650];
	_ =	sdelay $0x3  }
0x6e: {  	v59 =	vadd.s32 v1, v57;
	v5 =	vadd.f32 v6, v5  }
0x6f: {  	v60 =	vadd.s32 v1, v58  }
0x70: {  	v5 =	vadd.f32 v5, v4;
	_ =	sdelay $0x1  }
0x71: {  	v62 =	vld [tilespmem:$0x260];
	[tilespmem:$0x8840] =	vst v5  }
0x72: {  	v5 =	vld.idx.msk [tilespmem:v59+s17+$0x0], $0xffff  }
0x73: {  	v61 =	vld.idx.msk [tilespmem:v60+s19+$0x0], $0xffff  }
0x74: {  	v63 =	vld [tilespmem:$0x660];
	_ =	sdelay $0x3  }
0x75: {  	v12 =	vadd.s32 v2, v62;
	v5 =	vadd.f32 v61, v5  }
0x76: {  	v13 =	vadd.s32 v2, v63  }
0x77: {  	v5 =	vadd.f32 v5, v4;
	_ =	sdelay $0x1  }
0x78: {  	v15 =	vld [tilespmem:$0x270];
	[tilespmem:$0x8850] =	vst v5  }
0x79: {  	v5 =	vld.idx.msk [tilespmem:v12+s17+$0x0], $0xffff  }
0x7a: {  	v14 =	vld.idx.msk [tilespmem:v13+s19+$0x0], $0xffff  }
0x7b: {  	v16 =	vld [tilespmem:$0x670];
	_ =	sdelay $0x3  }
0x7c: {  	v17 =	vadd.s32 v3, v15;
	v5 =	vadd.f32 v14, v5  }
0x7d: {  	v18 =	vadd.s32 v3, v16  }
0x7e: {  	v5 =	vadd.f32 v5, v4;
	_ =	sdelay $0x1  }
0x7f: {  	[tilespmem:$0x8860] =	vst v5  }
0x80: {  	v5 =	vld.idx.msk [tilespmem:v17+s17+$0x0], $0xffff  }
0x81: {  	v19 =	vld.idx.msk [tilespmem:v18+s19+$0x0], $0xffff;
	_ =	sdelay $0x4  }
0x82: {  	v5 =	vadd.f32 v19, v5;
	_ =	sdelay $0x1  }
0x83: {  	v5 =	vadd.f32 v5, v4;
	_ =	sdelay $0x1  }
0x84: {  	s28 =	simm.s32 $0xC0;
	[tilespmem:$0x8870] =	vst v5  }
0x85: {  	[tilespmem:s17], [sflag:$0x2] =	stream.indirect.gather [hbm4b:s3+s14], $0x80, s28, s14, $0xb8;
	[tilespmem:$0x8A80] =	vst v63  }
0x86: {  	s29 =	simm.s32 $0x4C0  }
0x87: {  	[tilespmem:s19], [sflag:$0x4] =	stream.indirect.gather [hbm4b:s4+s14], $0x80, s29, s14, $0xb8;
	[tilespmem:$0x8A80] =	vst v63  }
0x88: {  	_ =	swait.ge [sflag:s20], $0x2000  }
0x89: {  	[sflag:s20] =	ssyncset.done $0x0  }
0x8a: {  	[sflag:s20] =	ssyncadd.s32 $0xFFFFE000  }
0x8b: {  	_ =	swait.ge [sflag:s21], $0x2000  }
0x8c: {  	[sflag:s21] =	ssyncset.done $0x0  }
0x8d: {  	[sflag:s21] =	ssyncadd.s32 $0xFFFFE000  }
0x8e: {  	v5 =	vld [tilespmem:$0x280]  }
0x8f: {  	v20 =	vld [tilespmem:$0x680];
	_ =	sdelay $0x3  }
0x90: {  	v5 =	vadd.s32 v0, v5  }
0x91: {  	v6 =	vadd.s32 v0, v20;
	_ =	sdelay $0x2  }
0x92: {  	v21 =	vld [tilespmem:$0x290]  }
0x93: {  	v5 =	vld.idx.msk [tilespmem:v5+s15+$0x0], $0xffff  }
0x94: {  	v6 =	vld.idx.msk [tilespmem:v6+s16+$0x0], $0xffff  }
0x95: {  	v22 =	vld [tilespmem:$0x690];
	_ =	sdelay $0x3  }
0x96: {  	v23 =	vadd.s32 v1, v21;
	v5 =	vadd.f32 v6, v5  }
0x97: {  	v24 =	vadd.s32 v1, v22  }
0x98: {  	v5 =	vadd.f32 v5, v4;
	_ =	sdelay $0x1  }
0x99: {  	v26 =	vld [tilespmem:$0x2A0];
	[tilespmem:$0x8880] =	vst v5  }
0x9a: {  	v5 =	vld.idx.msk [tilespmem:v23+s15+$0x0], $0xffff  }
0x9b: {  	v25 =	vld.idx.msk [tilespmem:v24+s16+$0x0], $0xffff  }
0x9c: {  	v27 =	vld [tilespmem:$0x6A0];
	_ =	sdelay $0x3  }
0x9d: {  	v28 =	vadd.s32 v2, v26;
	v5 =	vadd.f32 v25, v5  }
0x9e: {  	v29 =	vadd.s32 v2, v27  }
0x9f: {  	v5 =	vadd.f32 v5, v4;
	_ =	sdelay $0x1  }
0xa0: {  	v31 =	vld [tilespmem:$0x2B0];
	[tilespmem:$0x8890] =	vst v5  }
0xa1: {  	v5 =	vld.idx.msk [tilespmem:v28+s15+$0x0], $0xffff  }
0xa2: {  	v30 =	vld.idx.msk [tilespmem:v29+s16+$0x0], $0xffff  }
0xa3: {  	v32 =	vld [tilespmem:$0x6B0];
	_ =	sdelay $0x3  }
0xa4: {  	v33 =	vadd.s32 v3, v31;
	v5 =	vadd.f32 v30, v5  }
0xa5: {  	v34 =	vadd.s32 v3, v32  }
0xa6: {  	v5 =	vadd.f32 v5, v4;
	_ =	sdelay $0x1  }
0xa7: {  	[tilespmem:$0x88A0] =	vst v5  }
0xa8: {  	v5 =	vld.idx.msk [tilespmem:v33+s15+$0x0], $0xffff  }
0xa9: {  	v35 =	vld.idx.msk [tilespmem:v34+s16+$0x0], $0xffff;
	_ =	sdelay $0x4  }
0xaa: {  	v5 =	vadd.f32 v35, v5;
	_ =	sdelay $0x1  }
0xab: {  	v5 =	vadd.f32 v5, v4;
	_ =	sdelay $0x1  }
0xac: {  	s28 =	simm.s32 $0x100;
	[tilespmem:$0x88B0] =	vst v5  }
0xad: {  	[tilespmem:s15], [sflag:$0x1] =	stream.indirect.gather [hbm4b:s3+s14], $0x80, s28, s14, $0xb8;
	[tilespmem:$0x8A80] =	vst v63  }
0xae: {  	s29 =	simm.s32 $0x500  }
0xaf: {  	[tilespmem:s16], [sflag:$0x3] =	stream.indirect.gather [hbm4b:s4+s14], $0x80, s29, s14, $0xb8;
	[tilespmem:$0x8A80] =	vst v63  }
0xb0: {  	_ =	swait.ge [sflag:s23], $0x2000  }
0xb1: {  	[sflag:s23] =	ssyncset.done $0x0  }
0xb2: {  	[sflag:s23] =	ssyncadd.s32 $0xFFFFE000  }
0xb3: {  	_ =	swait.ge [sflag:s24], $0x2000  }
0xb4: {  	[sflag:s24] =	ssyncset.done $0x0  }
0xb5: {  	[sflag:s24] =	ssyncadd.s32 $0xFFFFE000  }
0xb6: {  	v5 =	vld [tilespmem:$0x2C0]  }
0xb7: {  	v36 =	vld [tilespmem:$0x6C0];
	_ =	sdelay $0x3  }
0xb8: {  	v5 =	vadd.s32 v0, v5  }
0xb9: {  	v6 =	vadd.s32 v0, v36;
	_ =	sdelay $0x2  }
0xba: {  	v37 =	vld [tilespmem:$0x2D0]  }
0xbb: {  	v5 =	vld.idx.msk [tilespmem:v5+s17+$0x0], $0xffff  }
0xbc: {  	v6 =	vld.idx.msk [tilespmem:v6+s19+$0x0], $0xffff  }
0xbd: {  	v38 =	vld [tilespmem:$0x6D0];
	_ =	sdelay $0x3  }
0xbe: {  	v39 =	vadd.s32 v1, v37;
	v5 =	vadd.f32 v6, v5  }
0xbf: {  	v40 =	vadd.s32 v1, v38  }
0xc0: {  	v5 =	vadd.f32 v5, v4;
	_ =	sdelay $0x1  }
0xc1: {  	v42 =	vld [tilespmem:$0x2E0];
	[tilespmem:$0x88C0] =	vst v5  }
0xc2: {  	v5 =	vld.idx.msk [tilespmem:v39+s17+$0x0], $0xffff  }
0xc3: {  	v41 =	vld.idx.msk [tilespmem:v40+s19+$0x0], $0xffff  }
0xc4: {  	v43 =	vld [tilespmem:$0x6E0];
	_ =	sdelay $0x3  }
0xc5: {  	v44 =	vadd.s32 v2, v42;
	v5 =	vadd.f32 v41, v5  }
0xc6: {  	v45 =	vadd.s32 v2, v43  }
0xc7: {  	v5 =	vadd.f32 v5, v4;
	_ =	sdelay $0x1  }
0xc8: {  	v47 =	vld [tilespmem:$0x2F0];
	[tilespmem:$0x88D0] =	vst v5  }
0xc9: {  	v5 =	vld.idx.msk [tilespmem:v44+s17+$0x0], $0xffff  }
0xca: {  	v46 =	vld.idx.msk [tilespmem:v45+s19+$0x0], $0xffff  }
0xcb: {  	v48 =	vld [tilespmem:$0x6F0];
	_ =	sdelay $0x3  }
0xcc: {  	v49 =	vadd.s32 v3, v47;
	v5 =	vadd.f32 v46, v5  }
0xcd: {  	v50 =	vadd.s32 v3, v48  }
0xce: {  	v5 =	vadd.f32 v5, v4;
	_ =	sdelay $0x1  }
0xcf: {  	[tilespmem:$0x88E0] =	vst v5  }
0xd0: {  	v5 =	vld.idx.msk [tilespmem:v49+s17+$0x0], $0xffff  }
0xd1: {  	v51 =	vld.idx.msk [tilespmem:v50+s19+$0x0], $0xffff;
	_ =	sdelay $0x4  }
0xd2: {  	v5 =	vadd.f32 v51, v5;
	_ =	sdelay $0x1  }
0xd3: {  	v5 =	vadd.f32 v5, v4;
	_ =	sdelay $0x1  }
0xd4: {  	[tilespmem:$0x88F0] =	vst v5  }
0xd5: {  	[tilespmem:s17], [sflag:$0x2] =	stream.indirect.gather [hbm4b:s3+s14], $0x80, s30, s14, $0xb8;
	[tilespmem:$0x8A80] =	vst v63  }
0xd6: {  	_ = 	snop  }
0xd7: {  	[tilespmem:s19], [sflag:$0x4] =	stream.indirect.gather [hbm4b:s4+s14], $0x80, s31, s14, $0xb8;
	[tilespmem:$0x8A80] =	vst v63  }
0xd8: {  	_ =	swait.ge [sflag:s20], $0x2000  }
0xd9: {  	[sflag:s20] =	ssyncset.done $0x0  }
0xda: {  	[sflag:s20] =	ssyncadd.s32 $0xFFFFE000  }
0xdb: {  	_ =	swait.ge [sflag:s21], $0x2000  }
0xdc: {  	[sflag:s21] =	ssyncset.done $0x0  }
0xdd: {  	[sflag:s21] =	ssyncadd.s32 $0xFFFFE000  }
0xde: {  	v5 =	vld [tilespmem:$0x300]  }
0xdf: {  	v52 =	vld [tilespmem:$0x700];
	_ =	sdelay $0x3  }
0xe0: {  	v5 =	vadd.s32 v0, v5  }
0xe1: {  	v6 =	vadd.s32 v0, v52;
	_ =	sdelay $0x2  }
0xe2: {  	v53 =	vld [tilespmem:$0x310]  }
0xe3: {  	v5 =	vld.idx.msk [tilespmem:v5+s15+$0x0], $0xffff  }
0xe4: {  	v6 =	vld.idx.msk [tilespmem:v6+s16+$0x0], $0xffff  }
0xe5: {  	v54 =	vld [tilespmem:$0x710];
	_ =	sdelay $0x3  }
0xe6: {  	v55 =	vadd.s32 v1, v53;
	v5 =	vadd.f32 v6, v5  }
0xe7: {  	v56 =	vadd.s32 v1, v54  }
0xe8: {  	v5 =	vadd.f32 v5, v4;
	_ =	sdelay $0x1  }
0xe9: {  	v58 =	vld [tilespmem:$0x320];
	[tilespmem:$0x8900] =	vst v5  }
0xea: {  	v5 =	vld.idx.msk [tilespmem:v55+s15+$0x0], $0xffff  }
0xeb: {  	v57 =	vld.idx.msk [tilespmem:v56+s16+$0x0], $0xffff  }
0xec: {  	v59 =	vld [tilespmem:$0x720];
	_ =	sdelay $0x3  }
0xed: {  	v60 =	vadd.s32 v2, v58;
	v5 =	vadd.f32 v57, v5  }
0xee: {  	v61 =	vadd.s32 v2, v59  }
0xef: {  	v5 =	vadd.f32 v5, v4;
	_ =	sdelay $0x1  }
0xf0: {  	v63 =	vld [tilespmem:$0x330];
	[tilespmem:$0x8910] =	vst v5  }
0xf1: {  	v5 =	vld.idx.msk [tilespmem:v60+s15+$0x0], $0xffff  }
0xf2: {  	v62 =	vld.idx.msk [tilespmem:v61+s16+$0x0], $0xffff  }
0xf3: {  	v12 =	vld [tilespmem:$0x730];
	_ =	sdelay $0x3  }
0xf4: {  	v13 =	vadd.s32 v3, v63;
	v5 =	vadd.f32 v62, v5  }
0xf5: {  	v14 =	vadd.s32 v3, v12  }
0xf6: {  	v5 =	vadd.f32 v5, v4;
	_ =	sdelay $0x1  }
0xf7: {  	[tilespmem:$0x8920] =	vst v5  }
0xf8: {  	v5 =	vld.idx.msk [tilespmem:v13+s15+$0x0], $0xffff  }
0xf9: {  	v15 =	vld.idx.msk [tilespmem:v14+s16+$0x0], $0xffff;
	_ =	sdelay $0x4  }
0xfa: {  	v5 =	vadd.f32 v15, v5;
	_ =	sdelay $0x1  }
0xfb: {  	v5 =	vadd.f32 v5, v4;
	_ =	sdelay $0x1  }
0xfc: {  	[tilespmem:$0x8930] =	vst v5  }
0xfd: {  	[tilespmem:s15], [sflag:$0x1] =	stream.indirect.gather [hbm4b:s3+s14], $0x80, s0, s14, $0xb8;
	[tilespmem:$0x8A80] =	vst v63  }
0xfe: {  	_ = 	snop  }
0xff: {  	[tilespmem:s16], [sflag:$0x3] =	stream.indirect.gather [hbm4b:s4+s14], $0x80, s2, s14, $0xb8;
	[tilespmem:$0x8A80] =	vst v63  }
0x100: {  	_ =	swait.ge [sflag:s23], $0x2000  }
0x101: {  	[sflag:s23] =	ssyncset.done $0x0  }
0x102: {  	[sflag:s23] =	ssyncadd.s32 $0xFFFFE000  }
0x103: {  	_ =	swait.ge [sflag:s24], $0x2000  }
0x104: {  	[sflag:s24] =	ssyncset.done $0x0  }
0x105: {  	[sflag:s24] =	ssyncadd.s32 $0xFFFFE000  }
0x106: {  	v5 =	vld [tilespmem:$0x340]  }
0x107: {  	v16 =	vld [tilespmem:$0x740];
	_ =	sdelay $0x3  }
0x108: {  	v5 =	vadd.s32 v0, v5  }
0x109: {  	v6 =	vadd.s32 v0, v16;
	_ =	sdelay $0x2  }
0x10a: {  	v17 =	vld [tilespmem:$0x350]  }
0x10b: {  	v5 =	vld.idx.msk [tilespmem:v5+s17+$0x0], $0xffff  }
0x10c: {  	v6 =	vld.idx.msk [tilespmem:v6+s19+$0x0], $0xffff  }
0x10d: {  	v18 =	vld [tilespmem:$0x750];
	_ =	sdelay $0x3  }
0x10e: {  	v19 =	vadd.s32 v1, v17;
	v5 =	vadd.f32 v6, v5  }
0x10f: {  	v20 =	vadd.s32 v1, v18  }
0x110: {  	v5 =	vadd.f32 v5, v4;
	_ =	sdelay $0x1  }
0x111: {  	v22 =	vld [tilespmem:$0x360];
	[tilespmem:$0x8940] =	vst v5  }
0x112: {  	v5 =	vld.idx.msk [tilespmem:v19+s17+$0x0], $0xffff  }
0x113: {  	v21 =	vld.idx.msk [tilespmem:v20+s19+$0x0], $0xffff  }
0x114: {  	v23 =	vld [tilespmem:$0x760];
	_ =	sdelay $0x3  }
0x115: {  	v24 =	vadd.s32 v2, v22;
	v5 =	vadd.f32 v21, v5  }
0x116: {  	v25 =	vadd.s32 v2, v23  }
0x117: {  	v5 =	vadd.f32 v5, v4;
	_ =	sdelay $0x1  }
0x118: {  	v27 =	vld [tilespmem:$0x370];
	[tilespmem:$0x8950] =	vst v5  }
0x119: {  	v5 =	vld.idx.msk [tilespmem:v24+s17+$0x0], $0xffff  }
0x11a: {  	v26 =	vld.idx.msk [tilespmem:v25+s19+$0x0], $0xffff  }
0x11b: {  	v28 =	vld [tilespmem:$0x770];
	_ =	sdelay $0x3  }
0x11c: {  	v29 =	vadd.s32 v3, v27;
	v5 =	vadd.f32 v26, v5  }
0x11d: {  	v30 =	vadd.s32 v3, v28  }
0x11e: {  	v5 =	vadd.f32 v5, v4;
	_ =	sdelay $0x1  }
0x11f: {  	[tilespmem:$0x8960] =	vst v5  }
0x120: {  	v5 =	vld.idx.msk [tilespmem:v29+s17+$0x0], $0xffff  }
0x121: {  	v31 =	vld.idx.msk [tilespmem:v30+s19+$0x0], $0xffff;
	_ =	sdelay $0x4  }
0x122: {  	v5 =	vadd.f32 v31, v5;
	_ =	sdelay $0x1  }
0x123: {  	v5 =	vadd.f32 v5, v4;
	_ =	sdelay $0x1  }
0x124: {  	[tilespmem:$0x8970] =	vst v5  }
0x125: {  	[tilespmem:s17], [sflag:$0x2] =	stream.indirect.gather [hbm4b:s3+s14], $0x80, s13, s14, $0xb8;
	[tilespmem:$0x8A80] =	vst v63  }
0x126: {  	_ = 	snop  }
0x127: {  	[tilespmem:s19], [sflag:$0x4] =	stream.indirect.gather [hbm4b:s4+s14], $0x80, s18, s14, $0xb8;
	[tilespmem:$0x8A80] =	vst v63  }
0x128: {  	_ =	swait.ge [sflag:s20], $0x2000  }
0x129: {  	[sflag:s20] =	ssyncset.done $0x0  }
0x12a: {  	[sflag:s20] =	ssyncadd.s32 $0xFFFFE000  }
0x12b: {  	_ =	swait.ge [sflag:s21], $0x2000  }
0x12c: {  	[sflag:s21] =	ssyncset.done $0x0  }
0x12d: {  	[sflag:s21] =	ssyncadd.s32 $0xFFFFE000  }
0x12e: {  	v5 =	vld [tilespmem:$0x380]  }
0x12f: {  	v32 =	vld [tilespmem:$0x780];
	_ =	sdelay $0x3  }
0x130: {  	v5 =	vadd.s32 v0, v5  }
0x131: {  	v6 =	vadd.s32 v0, v32;
	_ =	sdelay $0x2  }
0x132: {  	v33 =	vld [tilespmem:$0x390]  }
0x133: {  	v5 =	vld.idx.msk [tilespmem:v5+s15+$0x0], $0xffff  }
0x134: {  	v6 =	vld.idx.msk [tilespmem:v6+s16+$0x0], $0xffff  }
0x135: {  	v34 =	vld [tilespmem:$0x790];
	_ =	sdelay $0x3  }
0x136: {  	v35 =	vadd.s32 v1, v33;
	v5 =	vadd.f32 v6, v5  }
0x137: {  	v36 =	vadd.s32 v1, v34  }
0x138: {  	v5 =	vadd.f32 v5, v4;
	_ =	sdelay $0x1  }
0x139: {  	v38 =	vld [tilespmem:$0x3A0];
	[tilespmem:$0x8980] =	vst v5  }
0x13a: {  	v5 =	vld.idx.msk [tilespmem:v35+s15+$0x0], $0xffff  }
0x13b: {  	v37 =	vld.idx.msk [tilespmem:v36+s16+$0x0], $0xffff  }
0x13c: {  	v39 =	vld [tilespmem:$0x7A0];
	_ =	sdelay $0x3  }
0x13d: {  	v40 =	vadd.s32 v2, v38;
	v5 =	vadd.f32 v37, v5  }
0x13e: {  	v41 =	vadd.s32 v2, v39  }
0x13f: {  	v5 =	vadd.f32 v5, v4;
	_ =	sdelay $0x1  }
0x140: {  	v43 =	vld [tilespmem:$0x3B0];
	[tilespmem:$0x8990] =	vst v5  }
0x141: {  	v5 =	vld.idx.msk [tilespmem:v40+s15+$0x0], $0xffff  }
0x142: {  	v42 =	vld.idx.msk [tilespmem:v41+s16+$0x0], $0xffff  }
0x143: {  	v44 =	vld [tilespmem:$0x7B0];
	_ =	sdelay $0x3  }
0x144: {  	v45 =	vadd.s32 v3, v43;
	v5 =	vadd.f32 v42, v5  }
0x145: {  	v46 =	vadd.s32 v3, v44  }
0x146: {  	v5 =	vadd.f32 v5, v4;
	_ =	sdelay $0x1  }
0x147: {  	[tilespmem:$0x89A0] =	vst v5  }
0x148: {  	v5 =	vld.idx.msk [tilespmem:v45+s15+$0x0], $0xffff  }
0x149: {  	v47 =	vld.idx.msk [tilespmem:v46+s16+$0x0], $0xffff;
	_ =	sdelay $0x4  }
0x14a: {  	v5 =	vadd.f32 v47, v5;
	_ =	sdelay $0x1  }
0x14b: {  	v5 =	vadd.f32 v5, v4;
	_ =	sdelay $0x1  }
0x14c: {  	[tilespmem:$0x89B0] =	vst v5  }
0x14d: {  	_ =	swait.ge [sflag:s23], $0x2000  }
0x14e: {  	[sflag:s23] =	ssyncset.done $0x0  }
0x14f: {  	[sflag:s23] =	ssyncadd.s32 $0xFFFFE000  }
0x150: {  	_ =	swait.ge [sflag:s24], $0x2000  }
0x151: {  	[sflag:s24] =	ssyncset.done $0x0  }
0x152: {  	[sflag:s24] =	ssyncadd.s32 $0xFFFFE000  }
0x153: {  	v5 =	vld [tilespmem:$0x3C0]  }
0x154: {  	v48 =	vld [tilespmem:$0x7C0];
	_ =	sdelay $0x3  }
0x155: {  	v5 =	vadd.s32 v0, v5  }
0x156: {  	v6 =	vadd.s32 v0, v48;
	_ =	sdelay $0x2  }
0x157: {  	v49 =	vld [tilespmem:$0x3D0]  }
0x158: {  	v5 =	vld.idx.msk [tilespmem:v5+s17+$0x0], $0xffff  }
0x159: {  	v6 =	vld.idx.msk [tilespmem:v6+s19+$0x0], $0xffff  }
0x15a: {  	v50 =	vld [tilespmem:$0x7D0];
	_ =	sdelay $0x3  }
0x15b: {  	v51 =	vadd.s32 v1, v49;
	v5 =	vadd.f32 v6, v5  }
0x15c: {  	v52 =	vadd.s32 v1, v50  }
0x15d: {  	v5 =	vadd.f32 v5, v4;
	_ =	sdelay $0x1  }
0x15e: {  	v54 =	vld [tilespmem:$0x3E0];
	[tilespmem:$0x89C0] =	vst v5  }
0x15f: {  	v5 =	vld.idx.msk [tilespmem:v51+s17+$0x0], $0xffff  }
0x160: {  	v53 =	vld.idx.msk [tilespmem:v52+s19+$0x0], $0xffff  }
0x161: {  	v55 =	vld [tilespmem:$0x7E0];
	_ =	sdelay $0x3  }
0x162: {  	v56 =	vadd.s32 v2, v54;
	v5 =	vadd.f32 v53, v5  }
0x163: {  	v57 =	vadd.s32 v2, v55  }
0x164: {  	v5 =	vadd.f32 v5, v4;
	_ =	sdelay $0x1  }
0x165: {  	v59 =	vld [tilespmem:$0x3F0];
	[tilespmem:$0x89D0] =	vst v5  }
0x166: {  	v5 =	vld.idx.msk [tilespmem:v56+s17+$0x0], $0xffff  }
0x167: {  	v58 =	vld.idx.msk [tilespmem:v57+s19+$0x0], $0xffff  }
0x168: {  	v60 =	vld [tilespmem:$0x7F0];
	_ =	sdelay $0x3  }
0x169: {  	v61 =	vadd.s32 v3, v59;
	v5 =	vadd.f32 v58, v5  }
0x16a: {  	v62 =	vadd.s32 v3, v60  }
0x16b: {  	v5 =	vadd.f32 v5, v4;
	_ =	sdelay $0x1  }
0x16c: {  	[tilespmem:$0x89E0] =	vst v5  }
0x16d: {  	v5 =	vld.idx.msk [tilespmem:v61+s17+$0x0], $0xffff  }
0x16e: {  	v63 =	vld.idx.msk [tilespmem:v62+s19+$0x0], $0xffff;
	_ =	sdelay $0x4  }
0x16f: {  	v5 =	vadd.f32 v63, v5;
	_ =	sdelay $0x1  }
0x170: {  	s25 =	sadd.s32 $0x1, s25;
	v4 =	vadd.f32 v5, v4  }
0x171: {  	p0 =	sne.s32 s25, s9  }
.Ltmp1:
0x172: {  	[tilespmem:$0x89F0] =	vst v4;
	(pc) =	sbr.rel @p0 .LBB2_1-.Ltmp1, $4  }
0x173: {  	[hbm4b:s8+s10] =	stream.strided.scatter [tilespmem:s22], [sflag:$0x5], $0x200, s11, s10, $0x38;
	[tilespmem:$0x8A80] =	vst v63  }
0x174: {  	_ =	swait.ge [sflag:s12], $0x200  }
0x175: {  	[sflag:s12] =	ssyncset.done $0x0  }
0x176: {  	[sflag:s12] =	ssyncadd.s32 $0xFFFFFE00  }
0x177: {  	_ =	sfence.sel $0x180000  }
0x178: {  	[bflag:$0x0] =	sbarrier.arrive $0xFFFF  }
0x179: {  	_ =	strace $0x90000047  }
0x17a: {  	s0 =	stileid.u32;
	[bflag:$0x2] =	sbarrier.arrive $0xFFFF  }
0x17b: {  	p0 =	sne.s32 s0, $0x0;
	s0 =	rddreg [dreg:$0x2]  }
0x17c: {  	s0 =	sadd.s32 @!p0 $0x100000, s0  }
0x17d: {  	[sflag:s0] =	ssyncadd.tile.s32 @!p0 $0x1;
	_ =	shalt  }
.Lfunc_end2:
_tile_overlayer_lowered:
.L_overlay_start_2:
0x17e: {  	(tag) =	ssettag $0x2  }
0x17f: {  	s0 =	rddreg [dreg:$0x0];
	s2 =	stileid.u32  }
0x180: {  	s1 =	rddreg [dreg:$0x1];
	p0 =	sne.s32 s2, $0x0  }
0x181: {  	s3 =	rddreg [dreg:$0x2];
	[bflag:$0x3] =	sbarrier.arrive $0xFFFF;
	s2 =	simm.s32 @!p0 $0x1C05  }
0x182: {  	[timem:s3], [sflag:s2] =	dma.local @!p0 [hbm:s0], s1  }
0x183: {  	s0 =	simm.s32 @!p0 $0x5  }
0x184: {  	_ =	swait.ge @!p0 [sflag:s0], s1  }
0x185: {  	s1 =	ssub.s32 @!p0 $0x0, s1;
	[sflag:s0] =	ssyncset.done @!p0 $0x0  }
0x186: {  	[sflag:s0] =	ssyncadd.s32 @!p0 s1  }
0x187: {  	[bflag:$0x3] =	sbarrier.arrive $0xFFFF  }
0x188: {  	_ =	shalt  }

</sc_bundles>
